<compile_context>
chip_gen: v7x
topology: tpu7x:2x2x1
jax: 0.10.2.dev20260603
libtpu: 0.0.44.dev20260713+nightly
codegen_flags: <defaults>
</compile_context>

<pallas_src>
import jax
import jax.numpy as jnp
from jax import lax
from jax.experimental import pallas as pl
from jax.experimental.pallas import tpu as pltpu
from jax.experimental.pallas import tpu_sc as plsc

_M, _U, _V = 8, 400, 400
_T = _M * _U * _V
_NW = 32
_C = 1024


def _adapter_body(x_hbm, m_hbm, u_hbm, v_hbm, ct_hbm, out_hbm,
                  u_v, v_v, m_v, x_v,
                  i11, i21, i12, i22,
                  w11, w21, w12, w22,
                  r11, r21, r12, r22,
                  out_v, sem):
    wid = lax.axis_index("s") * 2 + lax.axis_index("c")
    n_total = m_hbm.shape[0]
    per_w = n_total // _NW
    n_chunks = per_w // _C
    iota = lax.iota(jnp.int32, 16)

    def chunk_body(c, carry):
        off = wid * per_w + c * _C
        in_copies = [
            pltpu.async_copy(u_hbm.at[pl.ds(off, _C)], u_v, sem),
            pltpu.async_copy(v_hbm.at[pl.ds(off, _C)], v_v, sem),
            pltpu.async_copy(m_hbm.at[pl.ds(off, _C)], m_v, sem),
            pltpu.async_copy(x_hbm.at[pl.ds(off, _C)], x_v, sem),
        ]
        for cp in in_copies:
            cp.wait()

        def prep(g, carry2):
            s = pl.multiple_of(g * 16, 16)
            u16 = u_v[pl.ds(s, 16)]
            v16 = v_v[pl.ds(s, 16)]
            m16 = m_v[pl.ds(s, 16)]
            iu = u16 * jnp.float32(_U)
            iu = jnp.where(iu == jnp.float32(_U), jnp.float32(_U - 1), iu)
            iv = v16 * jnp.float32(_V)
            iv = jnp.where(iv == jnp.float32(_V), jnp.float32(_V - 1), iv)
            i1 = iu.astype(jnp.int32)
            j1 = iv.astype(jnp.int32)
            ir = iu - i1.astype(jnp.float32)
            jr = iv - j1.astype(jnp.float32)
            i2 = jnp.where(i1 == _U - 1, 0, i1 + 1)
            j2 = jnp.where(j1 == _V - 1, 0, j1 + 1)
            base = m16 * (_U * _V)
            row1 = base + i1 * _V
            row2 = base + i2 * _V
            i11[pl.ds(s, 16)] = row1 + j1
            i21[pl.ds(s, 16)] = row2 + j1
            i12[pl.ds(s, 16)] = row1 + j2
            i22[pl.ds(s, 16)] = row2 + j2
            omi = 1.0 - ir
            omj = 1.0 - jr
            w11[pl.ds(s, 16)] = omi * omj
            w21[pl.ds(s, 16)] = ir * omj
            w12[pl.ds(s, 16)] = omi * jr
            w22[pl.ds(s, 16)] = ir * jr
            return carry2
        lax.fori_loop(0, _C // 16, prep, 0)

        copies = [pltpu.async_copy(ct_hbm.at[idx_v], rm_v, sem)
                  for idx_v, rm_v in ((i11, r11), (i21, r21),
                                      (i12, r12), (i22, r22))]
        for cp in copies:
            cp.wait()

        def comb(g, carry2):
            s = pl.multiple_of(g * 16, 16)
            rows = iota + s
            wa = w11[pl.ds(s, 16)]
            wb = w21[pl.ds(s, 16)]
            wc = w12[pl.ds(s, 16)]
            wd = w22[pl.ds(s, 16)]

            def gat(ref, k):
                return plsc.load_gather(ref, [rows, jnp.full((16,), k, jnp.int32)])

            A = [wa * gat(r11, k) + wb * gat(r21, k)
                 + wc * gat(r12, k) + wd * gat(r22, k) for k in range(12)]
            x0 = gat(x_v, 0)
            x1 = gat(x_v, 1)
            x2 = gat(x_v, 2)
            for j in range(3):
                yj = x0 * A[j] + x1 * A[3 + j] + x2 * A[6 + j] + A[9 + j]
                plsc.store_scatter(out_v, [rows, jnp.full((16,), j, jnp.int32)], yj)
            return carry2
        lax.fori_loop(0, _C // 16, comb, 0)

        pltpu.sync_copy(out_v, out_hbm.at[pl.ds(off, _C)])
        return carry
    lax.fori_loop(0, n_chunks, chunk_body, 0)


def kernel(x, m, u, v, m_param, b_param):
    n = x.shape[0]
    ct = jnp.concatenate(
        [m_param.reshape(_T, 9), b_param.reshape(_T, 3),
         jnp.zeros((_T, 4), jnp.float32)], axis=1)
    f32, i32 = jnp.float32, jnp.int32
    mesh = plsc.VectorSubcoreMesh(core_axis_name="c", subcore_axis_name="s")
    f = pl.kernel(
        _adapter_body,
        mesh=mesh,
        out_type=jax.ShapeDtypeStruct((n, 3), f32),
        compiler_params=pltpu.CompilerParams(
            needs_layout_passes=False, use_tc_tiling_on_sc=False),
        scratch_types=[
            pltpu.VMEM((_C,), f32),
            pltpu.VMEM((_C,), f32),
            pltpu.VMEM((_C,), i32),
            pltpu.VMEM((_C, 3), f32),
            pltpu.VMEM((_C,), i32),
            pltpu.VMEM((_C,), i32),
            pltpu.VMEM((_C,), i32),
            pltpu.VMEM((_C,), i32),
            pltpu.VMEM((_C,), f32),
            pltpu.VMEM((_C,), f32),
            pltpu.VMEM((_C,), f32),
            pltpu.VMEM((_C,), f32),
            pltpu.VMEM((_C, 16), f32),
            pltpu.VMEM((_C, 16), f32),
            pltpu.VMEM((_C, 16), f32),
            pltpu.VMEM((_C, 16), f32),
            pltpu.VMEM((_C, 3), f32),
            pltpu.SemaphoreType.DMA,
        ],
    )
    return f(x, m, u, v, ct)

# --- scband reference (transcript-rebuilt; emitter-appended) ---
"""Pipeline reference for scband-adapter-1778116460856 (READ-ONLY COPY).

The authoritative reference and input builder live on the scoring server;
editing this copy changes nothing except your own understanding.
"""

import jax, jax.numpy as jnp
import numpy as np

M, U, V, N = 8, 400, 400, 1048576


def setup_inputs(seed: int = 0) -> dict:
    key = jax.random.key(seed)
    ks = jax.random.split(key, 6)
    x = jax.random.normal(ks[0], (N, 3), dtype=jnp.float32)
    m = jax.random.randint(ks[1], (N,), 0, M, dtype=jnp.int32)
    u = jax.random.uniform(ks[2], (N,), dtype=jnp.float32)
    v = jax.random.uniform(ks[3], (N,), dtype=jnp.float32)
    m_param = 0.3333 * jnp.ones((M, U * V, 3, 3), dtype=jnp.float32) + 0.05 * jax.random.normal(ks[4], (M, U * V, 3, 3), dtype=jnp.float32)
    b_param = 0.01 * jax.random.normal(ks[5], (M, U * V, 1, 3), dtype=jnp.float32)
    return {"x": x, "m": m, "u": u, "v": v, "m_param": m_param, "b_param": b_param}


def _bilinear_interp(table, mat, i, j, I, J):
    tbl = table.reshape(M, U, V, -1)
    i1 = jnp.floor(i).astype(jnp.int32)
    j1 = jnp.floor(j).astype(jnp.int32)
    i2 = (i1 + 1) % I
    j2 = (j1 + 1) % J
    ir = (i - i1.astype(i.dtype))[:, None]
    jr = (j - j1.astype(j.dtype))[:, None]
    v11 = tbl[mat, i1, j1, :]
    v21 = tbl[mat, i2, j1, :]
    v12 = tbl[mat, i1, j2, :]
    v22 = tbl[mat, i2, j2, :]
    return (v11 * (1 - ir) + v21 * ir) * (1 - jr) + (v12 * (1 - ir) + v22 * ir) * jr


def reference(x, m, u, v, m_param, b_param):
    # radius=0 -> blur is identity
    ind_u = u * U
    ind_v = v * V
    ind_u = jnp.where(ind_u == U, jnp.float32(U - 1), ind_u)
    ind_v = jnp.where(ind_v == V, jnp.float32(V - 1), ind_v)
    Mi = _bilinear_interp(m_param, m, ind_u, ind_v, U, V).reshape(-1, 3, 3)
    bi = _bilinear_interp(b_param, m, ind_u, ind_v, U, V).reshape(-1, 3)
    out = jnp.einsum("ni,nij->nj", x, Mi) + bi
    return out.reshape(-1, 3)

if __name__ == "__main__":
    import jax
    _d = setup_inputs()
    print(jax.jit(kernel)(*tuple(_d.values())))

</pallas_src>

<mosaic_0001>
#map = affine_map<(d0, d1) -> (0, 0)>
#map1 = affine_map<(d0, d1) -> (0)>
module attributes {stable_mosaic.version = 14 : i64} {
  func.func @_adapter_body(%arg0: i32, %arg1: i32, %arg2: memref<1048576x3xf32, #tpu.memory_space<hbm>>, %arg3: memref<1048576xi32, #tpu.memory_space<hbm>>, %arg4: memref<1048576xf32, #tpu.memory_space<hbm>>, %arg5: memref<1048576xf32, #tpu.memory_space<hbm>>, %arg6: memref<1280000x16xf32, #tpu.memory_space<hbm>>, %arg7: memref<1048576x3xf32, #tpu.memory_space<hbm>>, %arg8: memref<1024xf32, #tpu.memory_space<vmem>>, %arg9: memref<1024xf32, #tpu.memory_space<vmem>>, %arg10: memref<1024xi32, #tpu.memory_space<vmem>>, %arg11: memref<1024x3xf32, #tpu.memory_space<vmem>>, %arg12: memref<1024xi32, #tpu.memory_space<vmem>>, %arg13: memref<1024xi32, #tpu.memory_space<vmem>>, %arg14: memref<1024xi32, #tpu.memory_space<vmem>>, %arg15: memref<1024xi32, #tpu.memory_space<vmem>>, %arg16: memref<1024xf32, #tpu.memory_space<vmem>>, %arg17: memref<1024xf32, #tpu.memory_space<vmem>>, %arg18: memref<1024xf32, #tpu.memory_space<vmem>>, %arg19: memref<1024xf32, #tpu.memory_space<vmem>>, %arg20: memref<1024x16xf32, #tpu.memory_space<vmem>>, %arg21: memref<1024x16xf32, #tpu.memory_space<vmem>>, %arg22: memref<1024x16xf32, #tpu.memory_space<vmem>>, %arg23: memref<1024x16xf32, #tpu.memory_space<vmem>>, %arg24: memref<1024x3xf32, #tpu.memory_space<vmem>>, %arg25: memref<!tpu.dma_semaphore, #tpu.memory_space<semaphore_mem>>) attributes {dimension_semantics = [#tpu.dimension_semantics<core_parallel>, #tpu.dimension_semantics<subcore_parallel>], iteration_bounds = array<i64: 2, 16>, scalar_prefetch = 0 : i64, scratch_operands = 18 : i64, tpu.core_type = #tpu.core_type<sc_vector_subcore>, window_params = [{transform_indices = #map}, {transform_indices = #map1}, {transform_indices = #map1}, {transform_indices = #map1}, {transform_indices = #map}, {transform_indices = #map}]} {
    %mul3A = arith.constant 2 : i32
    %mul3A_0 = arith.muli %arg1, %mul3A : i32
    %add3A = arith.addi %mul3A_0, %arg0 : i32
    %iota3A = tpu.iota {dimensions = array<i32: 0>} : vector<16xi32>
    %scan3A = arith.constant 0 : i32
    %scan3A_1 = arith.constant 0 : i32
    %scan3A_2 = arith.constant 32 : i32
    %scan3A_3 = arith.addi %scan3A_1, %scan3A_2 : i32
    %scan3A_4 = arith.constant 1 : i32
    scf.for %scan3A_6 = %scan3A_1 to %scan3A_3 step %scan3A_4  : i32 {
      %mul3A_7 = arith.constant 32768 : i32
      %mul3A_8 = arith.muli %add3A, %mul3A_7 : i32
      %mul3A_9 = arith.constant 1024 : i32
      %mul3A_10 = arith.muli %scan3A_6, %mul3A_9 : i32
      %add3A_11 = arith.addi %mul3A_8, %mul3A_10 : i32
      %dma_start3A = tpu.memref_slice %arg4[%add3A_11] : memref<1048576xf32, #tpu.memory_space<hbm>> -> memref<1024xf32, #tpu.memory_space<hbm>>
      %dma_start3A_12 = tpu.memref_slice %arg4[%add3A_11] : memref<1048576xf32, #tpu.memory_space<hbm>> -> memref<1024xf32, #tpu.memory_space<hbm>>
      tpu.enqueue_dma source(%dma_start3A_12 : memref<1024xf32, #tpu.memory_space<hbm>>) target(%arg8 : memref<1024xf32, #tpu.memory_space<vmem>>) target_semaphore(%arg25 : memref<!tpu.dma_semaphore, #tpu.memory_space<semaphore_mem>>)
      %dma_start3A_13 = tpu.memref_slice %arg5[%add3A_11] : memref<1048576xf32, #tpu.memory_space<hbm>> -> memref<1024xf32, #tpu.memory_space<hbm>>
      %dma_start3A_14 = tpu.memref_slice %arg5[%add3A_11] : memref<1048576xf32, #tpu.memory_space<hbm>> -> memref<1024xf32, #tpu.memory_space<hbm>>
      tpu.enqueue_dma source(%dma_start3A_14 : memref<1024xf32, #tpu.memory_space<hbm>>) target(%arg9 : memref<1024xf32, #tpu.memory_space<vmem>>) target_semaphore(%arg25 : memref<!tpu.dma_semaphore, #tpu.memory_space<semaphore_mem>>)
      %dma_start3A_15 = tpu.memref_slice %arg3[%add3A_11] : memref<1048576xi32, #tpu.memory_space<hbm>> -> memref<1024xi32, #tpu.memory_space<hbm>>
      %dma_start3A_16 = tpu.memref_slice %arg3[%add3A_11] : memref<1048576xi32, #tpu.memory_space<hbm>> -> memref<1024xi32, #tpu.memory_space<hbm>>
      tpu.enqueue_dma source(%dma_start3A_16 : memref<1024xi32, #tpu.memory_space<hbm>>) target(%arg10 : memref<1024xi32, #tpu.memory_space<vmem>>) target_semaphore(%arg25 : memref<!tpu.dma_semaphore, #tpu.memory_space<semaphore_mem>>)
      %dma_start3A_17 = arith.constant 0 : i32
      %dma_start3A_18 = tpu.memref_slice %arg2[%add3A_11, %dma_start3A_17] : memref<1048576x3xf32, #tpu.memory_space<hbm>> -> memref<1024x3xf32, #tpu.memory_space<hbm>>
      %dma_start3A_19 = arith.constant 0 : i32
      %dma_start3A_20 = tpu.memref_slice %arg2[%add3A_11, %dma_start3A_19] : memref<1048576x3xf32, #tpu.memory_space<hbm>> -> memref<1024x3xf32, #tpu.memory_space<hbm>>
      tpu.enqueue_dma source(%dma_start3A_20 : memref<1024x3xf32, #tpu.memory_space<hbm>>) target(%arg11 : memref<1024x3xf32, #tpu.memory_space<vmem>>) target_semaphore(%arg25 : memref<!tpu.dma_semaphore, #tpu.memory_space<semaphore_mem>>)
      %dma_wait3A = tpu.memref_slice %arg4[%add3A_11] : memref<1048576xf32, #tpu.memory_space<hbm>> -> memref<1024xf32, #tpu.memory_space<hbm>>
      %dma_wait3A_21 = tpu.memref_slice %arg4[%add3A_11] : memref<1048576xf32, #tpu.memory_space<hbm>> -> memref<1024xf32, #tpu.memory_space<hbm>>
      tpu.wait_dma2 semaphore(%arg25 : memref<!tpu.dma_semaphore, #tpu.memory_space<semaphore_mem>>) src(%dma_wait3A_21 : memref<1024xf32, #tpu.memory_space<hbm>>) dst(%arg8 : memref<1024xf32, #tpu.memory_space<vmem>>)
      %dma_wait3A_22 = tpu.memref_slice %arg5[%add3A_11] : memref<1048576xf32, #tpu.memory_space<hbm>> -> memref<1024xf32, #tpu.memory_space<hbm>>
      %dma_wait3A_23 = tpu.memref_slice %arg5[%add3A_11] : memref<1048576xf32, #tpu.memory_space<hbm>> -> memref<1024xf32, #tpu.memory_space<hbm>>
      tpu.wait_dma2 semaphore(%arg25 : memref<!tpu.dma_semaphore, #tpu.memory_space<semaphore_mem>>) src(%dma_wait3A_23 : memref<1024xf32, #tpu.memory_space<hbm>>) dst(%arg9 : memref<1024xf32, #tpu.memory_space<vmem>>)
      %dma_wait3A_24 = tpu.memref_slice %arg3[%add3A_11] : memref<1048576xi32, #tpu.memory_space<hbm>> -> memref<1024xi32, #tpu.memory_space<hbm>>
      %dma_wait3A_25 = tpu.memref_slice %arg3[%add3A_11] : memref<1048576xi32, #tpu.memory_space<hbm>> -> memref<1024xi32, #tpu.memory_space<hbm>>
      tpu.wait_dma2 semaphore(%arg25 : memref<!tpu.dma_semaphore, #tpu.memory_space<semaphore_mem>>) src(%dma_wait3A_25 : memref<1024xi32, #tpu.memory_space<hbm>>) dst(%arg10 : memref<1024xi32, #tpu.memory_space<vmem>>)
      %dma_wait3A_26 = arith.constant 0 : i32
      %dma_wait3A_27 = tpu.memref_slice %arg2[%add3A_11, %dma_wait3A_26] : memref<1048576x3xf32, #tpu.memory_space<hbm>> -> memref<1024x3xf32, #tpu.memory_space<hbm>>
      %dma_wait3A_28 = arith.constant 0 : i32
      %dma_wait3A_29 = tpu.memref_slice %arg2[%add3A_11, %dma_wait3A_28] : memref<1048576x3xf32, #tpu.memory_space<hbm>> -> memref<1024x3xf32, #tpu.memory_space<hbm>>
      tpu.wait_dma2 semaphore(%arg25 : memref<!tpu.dma_semaphore, #tpu.memory_space<semaphore_mem>>) src(%dma_wait3A_29 : memref<1024x3xf32, #tpu.memory_space<hbm>>) dst(%arg11 : memref<1024x3xf32, #tpu.memory_space<vmem>>)
      %scan3A_30 = arith.constant 0 : i32
      %scan3A_31 = arith.constant 0 : i32
      %scan3A_32 = arith.constant 64 : i32
      %scan3A_33 = arith.addi %scan3A_31, %scan3A_32 : i32
      %scan3A_34 = arith.constant 1 : i32
      scf.for %scan3A_66 = %scan3A_31 to %scan3A_33 step %scan3A_34  : i32 {
        %mul3A_67 = arith.constant 16 : i32
        %mul3A_68 = arith.muli %scan3A_66, %mul3A_67 : i32
        %multiple_of3A = tpu.assume_multiple %mul3A_68, 16 : i32
        %get3A = arith.index_cast %multiple_of3A : i32 to index
        %get3A_69 = tpu.vector_load %arg8[%get3A] {strides = array<i32>} : memref<1024xf32, #tpu.memory_space<vmem>>, vector<16xf32>,
        %get3A_70 = arith.index_cast %multiple_of3A : i32 to index
        %get3A_71 = tpu.vector_load %arg9[%get3A_70] {strides = array<i32>} : memref<1024xf32, #tpu.memory_space<vmem>>, vector<16xf32>,
        %get3A_72 = arith.index_cast %multiple_of3A : i32 to index
        %get3A_73 = tpu.vector_load %arg10[%get3A_72] {strides = array<i32>} : memref<1024xi32, #tpu.memory_space<vmem>>, vector<16xi32>,
        %mul3A_74 = arith.constant 4.000000e+02 : f32
        %mul3A_75 = vector.broadcast %mul3A_74 : f32 to vector<16xf32>
        %mul3A_76 = arith.mulf %get3A_69, %mul3A_75 : vector<16xf32>
        %eq3A = arith.constant 4.000000e+02 : f32
        %eq3A_77 = vector.broadcast %eq3A : f32 to vector<16xf32>
        %eq3A_78 = arith.cmpf oeq, %mul3A_76, %eq3A_77 : vector<16xf32>
        %jit3A = arith.constant 3.990000e+02 : f32
        %broadcast_in_dim3A = vector.broadcast %jit3A : f32 to vector<16xf32>
        %select_n3A = arith.select %eq3A_78, %broadcast_in_dim3A, %mul3A_76 : vector<16xi1>, vector<16xf32>
        %mul3A_79 = arith.constant 4.000000e+02 : f32
        %mul3A_80 = vector.broadcast %mul3A_79 : f32 to vector<16xf32>
        %mul3A_81 = arith.mulf %get3A_71, %mul3A_80 : vector<16xf32>
        %eq3A_82 = arith.constant 4.000000e+02 : f32
        %eq3A_83 = vector.broadcast %eq3A_82 : f32 to vector<16xf32>
        %eq3A_84 = arith.cmpf oeq, %mul3A_81, %eq3A_83 : vector<16xf32>
        %jit3A_85 = arith.constant 3.990000e+02 : f32
        %broadcast_in_dim3A_86 = vector.broadcast %jit3A_85 : f32 to vector<16xf32>
        %select_n3A_87 = arith.select %eq3A_84, %broadcast_in_dim3A_86, %mul3A_81 : vector<16xi1>, vector<16xf32>
        %convert_element_type3A = arith.fptosi %select_n3A : vector<16xf32> to vector<16xi32>
        %convert_element_type3A_88 = arith.fptosi %select_n3A_87 : vector<16xf32> to vector<16xi32>
        %convert_element_type3A_89 = arith.sitofp %convert_element_type3A : vector<16xi32> to vector<16xf32>
        %sub3A = arith.subf %select_n3A, %convert_element_type3A_89 : vector<16xf32>
        %convert_element_type3A_90 = arith.sitofp %convert_element_type3A_88 : vector<16xi32> to vector<16xf32>
        %sub3A_91 = arith.subf %select_n3A_87, %convert_element_type3A_90 : vector<16xf32>
        %eq3A_92 = arith.constant 399 : i32
        %eq3A_93 = vector.broadcast %eq3A_92 : i32 to vector<16xi32>
        %eq3A_94 = arith.cmpi eq, %convert_element_type3A, %eq3A_93 : vector<16xi32>
        %add3A_95 = arith.constant 1 : i32
        %add3A_96 = vector.broadcast %add3A_95 : i32 to vector<16xi32>
        %add3A_97 = arith.addi %convert_element_type3A, %add3A_96 : vector<16xi32>
        %jit3A_98 = arith.constant 0 : i32
        %broadcast_in_dim3A_99 = vector.broadcast %jit3A_98 : i32 to vector<16xi32>
        %select_n3A_100 = arith.select %eq3A_94, %broadcast_in_dim3A_99, %add3A_97 : vector<16xi1>, vector<16xi32>
        %eq3A_101 = arith.constant 399 : i32
        %eq3A_102 = vector.broadcast %eq3A_101 : i32 to vector<16xi32>
        %eq3A_103 = arith.cmpi eq, %convert_element_type3A_88, %eq3A_102 : vector<16xi32>
        %add3A_104 = arith.constant 1 : i32
        %add3A_105 = vector.broadcast %add3A_104 : i32 to vector<16xi32>
        %add3A_106 = arith.addi %convert_element_type3A_88, %add3A_105 : vector<16xi32>
        %jit3A_107 = arith.constant 0 : i32
        %broadcast_in_dim3A_108 = vector.broadcast %jit3A_107 : i32 to vector<16xi32>
        %select_n3A_109 = arith.select %eq3A_103, %broadcast_in_dim3A_108, %add3A_106 : vector<16xi1>, vector<16xi32>
        %mul3A_110 = arith.constant 160000 : i32
        %mul3A_111 = vector.broadcast %mul3A_110 : i32 to vector<16xi32>
        %mul3A_112 = arith.muli %get3A_73, %mul3A_111 : vector<16xi32>
        %mul3A_113 = arith.constant 400 : i32
        %mul3A_114 = vector.broadcast %mul3A_113 : i32 to vector<16xi32>
        %mul3A_115 = arith.muli %convert_element_type3A, %mul3A_114 : vector<16xi32>
        %add3A_116 = arith.addi %mul3A_112, %mul3A_115 : vector<16xi32>
        %mul3A_117 = arith.constant 400 : i32
        %mul3A_118 = vector.broadcast %mul3A_117 : i32 to vector<16xi32>
        %mul3A_119 = arith.muli %select_n3A_100, %mul3A_118 : vector<16xi32>
        %add3A_120 = arith.addi %mul3A_112, %mul3A_119 : vector<16xi32>
        %add3A_121 = arith.addi %add3A_116, %convert_element_type3A_88 : vector<16xi32>
        %swap3A = arith.index_cast %multiple_of3A : i32 to index
        %swap3A_122 = tpu.vector_load %arg12[%swap3A] {strides = array<i32>} : memref<1024xi32, #tpu.memory_space<vmem>>, vector<16xi32>,
        tpu.vector_store %arg12[%swap3A], %add3A_121 {strides = array<i32>} : memref<1024xi32, #tpu.memory_space<vmem>>, vector<16xi32>,
        %add3A_123 = arith.addi %add3A_120, %convert_element_type3A_88 : vector<16xi32>
        %swap3A_124 = arith.index_cast %multiple_of3A : i32 to index
        %swap3A_125 = tpu.vector_load %arg13[%swap3A_124] {strides = array<i32>} : memref<1024xi32, #tpu.memory_space<vmem>>, vector<16xi32>,
        tpu.vector_store %arg13[%swap3A_124], %add3A_123 {strides = array<i32>} : memref<1024xi32, #tpu.memory_space<vmem>>, vector<16xi32>,
        %add3A_126 = arith.addi %add3A_116, %select_n3A_109 : vector<16xi32>
        %swap3A_127 = arith.index_cast %multiple_of3A : i32 to index
        %swap3A_128 = tpu.vector_load %arg14[%swap3A_127] {strides = array<i32>} : memref<1024xi32, #tpu.memory_space<vmem>>, vector<16xi32>,
        tpu.vector_store %arg14[%swap3A_127], %add3A_126 {strides = array<i32>} : memref<1024xi32, #tpu.memory_space<vmem>>, vector<16xi32>,
        %add3A_129 = arith.addi %add3A_120, %select_n3A_109 : vector<16xi32>
        %swap3A_130 = arith.index_cast %multiple_of3A : i32 to index
        %swap3A_131 = tpu.vector_load %arg15[%swap3A_130] {strides = array<i32>} : memref<1024xi32, #tpu.memory_space<vmem>>, vector<16xi32>,
        tpu.vector_store %arg15[%swap3A_130], %add3A_129 {strides = array<i32>} : memref<1024xi32, #tpu.memory_space<vmem>>, vector<16xi32>,
        %sub3A_132 = arith.constant 1.000000e+00 : f32
        %sub3A_133 = vector.broadcast %sub3A_132 : f32 to vector<16xf32>
        %sub3A_134 = arith.subf %sub3A_133, %sub3A : vector<16xf32>
        %sub3A_135 = arith.constant 1.000000e+00 : f32
        %sub3A_136 = vector.broadcast %sub3A_135 : f32 to vector<16xf32>
        %sub3A_137 = arith.subf %sub3A_136, %sub3A_91 : vector<16xf32>
        %mul3A_138 = arith.mulf %sub3A_134, %sub3A_137 : vector<16xf32>
        %swap3A_139 = arith.index_cast %multiple_of3A : i32 to index
        %swap3A_140 = tpu.vector_load %arg16[%swap3A_139] {strides = array<i32>} : memref<1024xf32, #tpu.memory_space<vmem>>, vector<16xf32>,
        tpu.vector_store %arg16[%swap3A_139], %mul3A_138 {strides = array<i32>} : memref<1024xf32, #tpu.memory_space<vmem>>, vector<16xf32>,
        %mul3A_141 = arith.mulf %sub3A, %sub3A_137 : vector<16xf32>
        %swap3A_142 = arith.index_cast %multiple_of3A : i32 to index
        %swap3A_143 = tpu.vector_load %arg17[%swap3A_142] {strides = array<i32>} : memref<1024xf32, #tpu.memory_space<vmem>>, vector<16xf32>,
        tpu.vector_store %arg17[%swap3A_142], %mul3A_141 {strides = array<i32>} : memref<1024xf32, #tpu.memory_space<vmem>>, vector<16xf32>,
        %mul3A_144 = arith.mulf %sub3A_134, %sub3A_91 : vector<16xf32>
        %swap3A_145 = arith.index_cast %multiple_of3A : i32 to index
        %swap3A_146 = tpu.vector_load %arg18[%swap3A_145] {strides = array<i32>} : memref<1024xf32, #tpu.memory_space<vmem>>, vector<16xf32>,
        tpu.vector_store %arg18[%swap3A_145], %mul3A_144 {strides = array<i32>} : memref<1024xf32, #tpu.memory_space<vmem>>, vector<16xf32>,
        %mul3A_147 = arith.mulf %sub3A, %sub3A_91 : vector<16xf32>
        %swap3A_148 = arith.index_cast %multiple_of3A : i32 to index
        %swap3A_149 = tpu.vector_load %arg19[%swap3A_148] {strides = array<i32>} : memref<1024xf32, #tpu.memory_space<vmem>>, vector<16xf32>,
        tpu.vector_store %arg19[%swap3A_148], %mul3A_147 {strides = array<i32>} : memref<1024xf32, #tpu.memory_space<vmem>>, vector<16xf32>,
      }
      %scan3A_35 = arith.constant 64 : i32
      %dma_start3A_36 = arith.constant 0 : i32
      %dma_start3A_37 = arith.constant 0 : i32
      %dma_start3A_38 = tpu.memref_slice %arg6[%dma_start3A_36, %dma_start3A_37] : memref<1280000x16xf32, #tpu.memory_space<hbm>> -> memref<1280000x16xf32, #tpu.memory_space<hbm>>
      tpu.enqueue_indirect_dma source(%dma_start3A_38 : memref<1280000x16xf32, #tpu.memory_space<hbm>>) target(%arg20 : memref<1024x16xf32, #tpu.memory_space<vmem>>) offsets(%arg12 : memref<1024xi32, #tpu.memory_space<vmem>>) semaphore(%arg25 : memref<!tpu.dma_semaphore, #tpu.memory_space<semaphore_mem>>)
      %dma_start3A_39 = arith.constant 0 : i32
      %dma_start3A_40 = arith.constant 0 : i32
      %dma_start3A_41 = tpu.memref_slice %arg6[%dma_start3A_39, %dma_start3A_40] : memref<1280000x16xf32, #tpu.memory_space<hbm>> -> memref<1280000x16xf32, #tpu.memory_space<hbm>>
      tpu.enqueue_indirect_dma source(%dma_start3A_41 : memref<1280000x16xf32, #tpu.memory_space<hbm>>) target(%arg21 : memref<1024x16xf32, #tpu.memory_space<vmem>>) offsets(%arg13 : memref<1024xi32, #tpu.memory_space<vmem>>) semaphore(%arg25 : memref<!tpu.dma_semaphore, #tpu.memory_space<semaphore_mem>>)
      %dma_start3A_42 = arith.constant 0 : i32
      %dma_start3A_43 = arith.constant 0 : i32
      %dma_start3A_44 = tpu.memref_slice %arg6[%dma_start3A_42, %dma_start3A_43] : memref<1280000x16xf32, #tpu.memory_space<hbm>> -> memref<1280000x16xf32, #tpu.memory_space<hbm>>
      tpu.enqueue_indirect_dma source(%dma_start3A_44 : memref<1280000x16xf32, #tpu.memory_space<hbm>>) target(%arg22 : memref<1024x16xf32, #tpu.memory_space<vmem>>) offsets(%arg14 : memref<1024xi32, #tpu.memory_space<vmem>>) semaphore(%arg25 : memref<!tpu.dma_semaphore, #tpu.memory_space<semaphore_mem>>)
      %dma_start3A_45 = arith.constant 0 : i32
      %dma_start3A_46 = arith.constant 0 : i32
      %dma_start3A_47 = tpu.memref_slice %arg6[%dma_start3A_45, %dma_start3A_46] : memref<1280000x16xf32, #tpu.memory_space<hbm>> -> memref<1280000x16xf32, #tpu.memory_space<hbm>>
      tpu.enqueue_indirect_dma source(%dma_start3A_47 : memref<1280000x16xf32, #tpu.memory_space<hbm>>) target(%arg23 : memref<1024x16xf32, #tpu.memory_space<vmem>>) offsets(%arg15 : memref<1024xi32, #tpu.memory_space<vmem>>) semaphore(%arg25 : memref<!tpu.dma_semaphore, #tpu.memory_space<semaphore_mem>>)
      %dma_wait3A_48 = arith.constant 0 : i32
      %dma_wait3A_49 = arith.constant 0 : i32
      %dma_wait3A_50 = tpu.memref_slice %arg6[%dma_wait3A_48, %dma_wait3A_49] : memref<1280000x16xf32, #tpu.memory_space<hbm>> -> memref<1280000x16xf32, #tpu.memory_space<hbm>>
      tpu.wait_indirect_dma semaphore(%arg25 : memref<!tpu.dma_semaphore, #tpu.memory_space<semaphore_mem>>) src(%dma_wait3A_50 : memref<1280000x16xf32, #tpu.memory_space<hbm>>) dst(%arg20 : memref<1024x16xf32, #tpu.memory_space<vmem>>)
      %dma_wait3A_51 = arith.constant 0 : i32
      %dma_wait3A_52 = arith.constant 0 : i32
      %dma_wait3A_53 = tpu.memref_slice %arg6[%dma_wait3A_51, %dma_wait3A_52] : memref<1280000x16xf32, #tpu.memory_space<hbm>> -> memref<1280000x16xf32, #tpu.memory_space<hbm>>
      tpu.wait_indirect_dma semaphore(%arg25 : memref<!tpu.dma_semaphore, #tpu.memory_space<semaphore_mem>>) src(%dma_wait3A_53 : memref<1280000x16xf32, #tpu.memory_space<hbm>>) dst(%arg21 : memref<1024x16xf32, #tpu.memory_space<vmem>>)
      %dma_wait3A_54 = arith.constant 0 : i32
      %dma_wait3A_55 = arith.constant 0 : i32
      %dma_wait3A_56 = tpu.memref_slice %arg6[%dma_wait3A_54, %dma_wait3A_55] : memref<1280000x16xf32, #tpu.memory_space<hbm>> -> memref<1280000x16xf32, #tpu.memory_space<hbm>>
      tpu.wait_indirect_dma semaphore(%arg25 : memref<!tpu.dma_semaphore, #tpu.memory_space<semaphore_mem>>) src(%dma_wait3A_56 : memref<1280000x16xf32, #tpu.memory_space<hbm>>) dst(%arg22 : memref<1024x16xf32, #tpu.memory_space<vmem>>)
      %dma_wait3A_57 = arith.constant 0 : i32
      %dma_wait3A_58 = arith.constant 0 : i32
      %dma_wait3A_59 = tpu.memref_slice %arg6[%dma_wait3A_57, %dma_wait3A_58] : memref<1280000x16xf32, #tpu.memory_space<hbm>> -> memref<1280000x16xf32, #tpu.memory_space<hbm>>
      tpu.wait_indirect_dma semaphore(%arg25 : memref<!tpu.dma_semaphore, #tpu.memory_space<semaphore_mem>>) src(%dma_wait3A_59 : memref<1280000x16xf32, #tpu.memory_space<hbm>>) dst(%arg23 : memref<1024x16xf32, #tpu.memory_space<vmem>>)
      %scan3A_60 = arith.constant 0 : i32
      %scan3A_61 = arith.constant 0 : i32
      %scan3A_62 = arith.constant 64 : i32
      %scan3A_63 = arith.addi %scan3A_61, %scan3A_62 : i32
      %scan3A_64 = arith.constant 1 : i32
      scf.for %scan3A_66 = %scan3A_61 to %scan3A_63 step %scan3A_64  : i32 {
        %mul3A_67 = arith.constant 16 : i32
        %mul3A_68 = arith.muli %scan3A_66, %mul3A_67 : i32
        %multiple_of3A = tpu.assume_multiple %mul3A_68, 16 : i32
        %add3A_69 = vector.broadcast %multiple_of3A : i32 to vector<16xi32>
        %add3A_70 = arith.addi %iota3A, %add3A_69 : vector<16xi32>
        %get3A = arith.index_cast %multiple_of3A : i32 to index
        %get3A_71 = tpu.vector_load %arg16[%get3A] {strides = array<i32>} : memref<1024xf32, #tpu.memory_space<vmem>>, vector<16xf32>,
        %get3A_72 = arith.index_cast %multiple_of3A : i32 to index
        %get3A_73 = tpu.vector_load %arg17[%get3A_72] {strides = array<i32>} : memref<1024xf32, #tpu.memory_space<vmem>>, vector<16xf32>,
        %get3A_74 = arith.index_cast %multiple_of3A : i32 to index
        %get3A_75 = tpu.vector_load %arg18[%get3A_74] {strides = array<i32>} : memref<1024xf32, #tpu.memory_space<vmem>>, vector<16xf32>,
        %get3A_76 = arith.index_cast %multiple_of3A : i32 to index
        %get3A_77 = tpu.vector_load %arg19[%get3A_76] {strides = array<i32>} : memref<1024xf32, #tpu.memory_space<vmem>>, vector<16xf32>,
        %broadcast_in_dim3A = arith.constant 0 : i32
        %broadcast_in_dim3A_78 = vector.broadcast %broadcast_in_dim3A : i32 to vector<16xi32>
        %gather3A = tpu.vector_load_idx %arg20[%add3A_70, %broadcast_in_dim3A_78] : memref<1024x16xf32, #tpu.memory_space<vmem>>[vector<16xi32>, vector<16xi32>], vector<16xf32>,
        %mul3A_79 = arith.mulf %get3A_71, %gather3A : vector<16xf32>
        %broadcast_in_dim3A_80 = arith.constant 0 : i32
        %broadcast_in_dim3A_81 = vector.broadcast %broadcast_in_dim3A_80 : i32 to vector<16xi32>
        %gather3A_82 = tpu.vector_load_idx %arg21[%add3A_70, %broadcast_in_dim3A_81] : memref<1024x16xf32, #tpu.memory_space<vmem>>[vector<16xi32>, vector<16xi32>], vector<16xf32>,
        %mul3A_83 = arith.mulf %get3A_73, %gather3A_82 : vector<16xf32>
        %add3A_84 = arith.addf %mul3A_79, %mul3A_83 : vector<16xf32>
        %broadcast_in_dim3A_85 = arith.constant 0 : i32
        %broadcast_in_dim3A_86 = vector.broadcast %broadcast_in_dim3A_85 : i32 to vector<16xi32>
        %gather3A_87 = tpu.vector_load_idx %arg22[%add3A_70, %broadcast_in_dim3A_86] : memref<1024x16xf32, #tpu.memory_space<vmem>>[vector<16xi32>, vector<16xi32>], vector<16xf32>,
        %mul3A_88 = arith.mulf %get3A_75, %gather3A_87 : vector<16xf32>
        %add3A_89 = arith.addf %add3A_84, %mul3A_88 : vector<16xf32>
        %broadcast_in_dim3A_90 = arith.constant 0 : i32
        %broadcast_in_dim3A_91 = vector.broadcast %broadcast_in_dim3A_90 : i32 to vector<16xi32>
        %gather3A_92 = tpu.vector_load_idx %arg23[%add3A_70, %broadcast_in_dim3A_91] : memref<1024x16xf32, #tpu.memory_space<vmem>>[vector<16xi32>, vector<16xi32>], vector<16xf32>,
        %mul3A_93 = arith.mulf %get3A_77, %gather3A_92 : vector<16xf32>
        %add3A_94 = arith.addf %add3A_89, %mul3A_93 : vector<16xf32>
        %broadcast_in_dim3A_95 = arith.constant 1 : i32
        %broadcast_in_dim3A_96 = vector.broadcast %broadcast_in_dim3A_95 : i32 to vector<16xi32>
        %gather3A_97 = tpu.vector_load_idx %arg20[%add3A_70, %broadcast_in_dim3A_96] : memref<1024x16xf32, #tpu.memory_space<vmem>>[vector<16xi32>, vector<16xi32>], vector<16xf32>,
        %mul3A_98 = arith.mulf %get3A_71, %gather3A_97 : vector<16xf32>
        %broadcast_in_dim3A_99 = arith.constant 1 : i32
        %broadcast_in_dim3A_100 = vector.broadcast %broadcast_in_dim3A_99 : i32 to vector<16xi32>
        %gather3A_101 = tpu.vector_load_idx %arg21[%add3A_70, %broadcast_in_dim3A_100] : memref<1024x16xf32, #tpu.memory_space<vmem>>[vector<16xi32>, vector<16xi32>], vector<16xf32>,
        %mul3A_102 = arith.mulf %get3A_73, %gather3A_101 : vector<16xf32>
        %add3A_103 = arith.addf %mul3A_98, %mul3A_102 : vector<16xf32>
        %broadcast_in_dim3A_104 = arith.constant 1 : i32
        %broadcast_in_dim3A_105 = vector.broadcast %broadcast_in_dim3A_104 : i32 to vector<16xi32>
        %gather3A_106 = tpu.vector_load_idx %arg22[%add3A_70, %broadcast_in_dim3A_105] : memref<1024x16xf32, #tpu.memory_space<vmem>>[vector<16xi32>, vector<16xi32>], vector<16xf32>,
        %mul3A_107 = arith.mulf %get3A_75, %gather3A_106 : vector<16xf32>
        %add3A_108 = arith.addf %add3A_103, %mul3A_107 : vector<16xf32>
        %broadcast_in_dim3A_109 = arith.constant 1 : i32
        %broadcast_in_dim3A_110 = vector.broadcast %broadcast_in_dim3A_109 : i32 to vector<16xi32>
        %gather3A_111 = tpu.vector_load_idx %arg23[%add3A_70, %broadcast_in_dim3A_110] : memref<1024x16xf32, #tpu.memory_space<vmem>>[vector<16xi32>, vector<16xi32>], vector<16xf32>,
        %mul3A_112 = arith.mulf %get3A_77, %gather3A_111 : vector<16xf32>
        %add3A_113 = arith.addf %add3A_108, %mul3A_112 : vector<16xf32>
        %broadcast_in_dim3A_114 = arith.constant 2 : i32
        %broadcast_in_dim3A_115 = vector.broadcast %broadcast_in_dim3A_114 : i32 to vector<16xi32>
        %gather3A_116 = tpu.vector_load_idx %arg20[%add3A_70, %broadcast_in_dim3A_115] : memref<1024x16xf32, #tpu.memory_space<vmem>>[vector<16xi32>, vector<16xi32>], vector<16xf32>,
        %mul3A_117 = arith.mulf %get3A_71, %gather3A_116 : vector<16xf32>
        %broadcast_in_dim3A_118 = arith.constant 2 : i32
        %broadcast_in_dim3A_119 = vector.broadcast %broadcast_in_dim3A_118 : i32 to vector<16xi32>
        %gather3A_120 = tpu.vector_load_idx %arg21[%add3A_70, %broadcast_in_dim3A_119] : memref<1024x16xf32, #tpu.memory_space<vmem>>[vector<16xi32>, vector<16xi32>], vector<16xf32>,
        %mul3A_121 = arith.mulf %get3A_73, %gather3A_120 : vector<16xf32>
        %add3A_122 = arith.addf %mul3A_117, %mul3A_121 : vector<16xf32>
        %broadcast_in_dim3A_123 = arith.constant 2 : i32
        %broadcast_in_dim3A_124 = vector.broadcast %broadcast_in_dim3A_123 : i32 to vector<16xi32>
        %gather3A_125 = tpu.vector_load_idx %arg22[%add3A_70, %broadcast_in_dim3A_124] : memref<1024x16xf32, #tpu.memory_space<vmem>>[vector<16xi32>, vector<16xi32>], vector<16xf32>,
        %mul3A_126 = arith.mulf %get3A_75, %gather3A_125 : vector<16xf32>
        %add3A_127 = arith.addf %add3A_122, %mul3A_126 : vector<16xf32>
        %broadcast_in_dim3A_128 = arith.constant 2 : i32
        %broadcast_in_dim3A_129 = vector.broadcast %broadcast_in_dim3A_128 : i32 to vector<16xi32>
        %gather3A_130 = tpu.vector_load_idx %arg23[%add3A_70, %broadcast_in_dim3A_129] : memref<1024x16xf32, #tpu.memory_space<vmem>>[vector<16xi32>, vector<16xi32>], vector<16xf32>,
        %mul3A_131 = arith.mulf %get3A_77, %gather3A_130 : vector<16xf32>
        %add3A_132 = arith.addf %add3A_127, %mul3A_131 : vector<16xf32>
        %broadcast_in_dim3A_133 = arith.constant 3 : i32
        %broadcast_in_dim3A_134 = vector.broadcast %broadcast_in_dim3A_133 : i32 to vector<16xi32>
        %gather3A_135 = tpu.vector_load_idx %arg20[%add3A_70, %broadcast_in_dim3A_134] : memref<1024x16xf32, #tpu.memory_space<vmem>>[vector<16xi32>, vector<16xi32>], vector<16xf32>,
        %mul3A_136 = arith.mulf %get3A_71, %gather3A_135 : vector<16xf32>
        %broadcast_in_dim3A_137 = arith.constant 3 : i32
        %broadcast_in_dim3A_138 = vector.broadcast %broadcast_in_dim3A_137 : i32 to vector<16xi32>
        %gather3A_139 = tpu.vector_load_idx %arg21[%add3A_70, %broadcast_in_dim3A_138] : memref<1024x16xf32, #tpu.memory_space<vmem>>[vector<16xi32>, vector<16xi32>], vector<16xf32>,
        %mul3A_140 = arith.mulf %get3A_73, %gather3A_139 : vector<16xf32>
        %add3A_141 = arith.addf %mul3A_136, %mul3A_140 : vector<16xf32>
        %broadcast_in_dim3A_142 = arith.constant 3 : i32
        %broadcast_in_dim3A_143 = vector.broadcast %broadcast_in_dim3A_142 : i32 to vector<16xi32>
        %gather3A_144 = tpu.vector_load_idx %arg22[%add3A_70, %broadcast_in_dim3A_143] : memref<1024x16xf32, #tpu.memory_space<vmem>>[vector<16xi32>, vector<16xi32>], vector<16xf32>,
        %mul3A_145 = arith.mulf %get3A_75, %gather3A_144 : vector<16xf32>
        %add3A_146 = arith.addf %add3A_141, %mul3A_145 : vector<16xf32>
        %broadcast_in_dim3A_147 = arith.constant 3 : i32
        %broadcast_in_dim3A_148 = vector.broadcast %broadcast_in_dim3A_147 : i32 to vector<16xi32>
        %gather3A_149 = tpu.vector_load_idx %arg23[%add3A_70, %broadcast_in_dim3A_148] : memref<1024x16xf32, #tpu.memory_space<vmem>>[vector<16xi32>, vector<16xi32>], vector<16xf32>,
        %mul3A_150 = arith.mulf %get3A_77, %gather3A_149 : vector<16xf32>
        %add3A_151 = arith.addf %add3A_146, %mul3A_150 : vector<16xf32>
        %broadcast_in_dim3A_152 = arith.constant 4 : i32
        %broadcast_in_dim3A_153 = vector.broadcast %broadcast_in_dim3A_152 : i32 to vector<16xi32>
        %gather3A_154 = tpu.vector_load_idx %arg20[%add3A_70, %broadcast_in_dim3A_153] : memref<1024x16xf32, #tpu.memory_space<vmem>>[vector<16xi32>, vector<16xi32>], vector<16xf32>,
        %mul3A_155 = arith.mulf %get3A_71, %gather3A_154 : vector<16xf32>
        %broadcast_in_dim3A_156 = arith.constant 4 : i32
        %broadcast_in_dim3A_157 = vector.broadcast %broadcast_in_dim3A_156 : i32 to vector<16xi32>
        %gather3A_158 = tpu.vector_load_idx %arg21[%add3A_70, %broadcast_in_dim3A_157] : memref<1024x16xf32, #tpu.memory_space<vmem>>[vector<16xi32>, vector<16xi32>], vector<16xf32>,
        %mul3A_159 = arith.mulf %get3A_73, %gather3A_158 : vector<16xf32>
        %add3A_160 = arith.addf %mul3A_155, %mul3A_159 : vector<16xf32>
        %broadcast_in_dim3A_161 = arith.constant 4 : i32
        %broadcast_in_dim3A_162 = vector.broadcast %broadcast_in_dim3A_161 : i32 to vector<16xi32>
        %gather3A_163 = tpu.vector_load_idx %arg22[%add3A_70, %broadcast_in_dim3A_162] : memref<1024x16xf32, #tpu.memory_space<vmem>>[vector<16xi32>, vector<16xi32>], vector<16xf32>,
        %mul3A_164 = arith.mulf %get3A_75, %gather3A_163 : vector<16xf32>
        %add3A_165 = arith.addf %add3A_160, %mul3A_164 : vector<16xf32>
        %broadcast_in_dim3A_166 = arith.constant 4 : i32
        %broadcast_in_dim3A_167 = vector.broadcast %broadcast_in_dim3A_166 : i32 to vector<16xi32>
        %gather3A_168 = tpu.vector_load_idx %arg23[%add3A_70, %broadcast_in_dim3A_167] : memref<1024x16xf32, #tpu.memory_space<vmem>>[vector<16xi32>, vector<16xi32>], vector<16xf32>,
        %mul3A_169 = arith.mulf %get3A_77, %gather3A_168 : vector<16xf32>
        %add3A_170 = arith.addf %add3A_165, %mul3A_169 : vector<16xf32>
        %broadcast_in_dim3A_171 = arith.constant 5 : i32
        %broadcast_in_dim3A_172 = vector.broadcast %broadcast_in_dim3A_171 : i32 to vector<16xi32>
        %gather3A_173 = tpu.vector_load_idx %arg20[%add3A_70, %broadcast_in_dim3A_172] : memref<1024x16xf32, #tpu.memory_space<vmem>>[vector<16xi32>, vector<16xi32>], vector<16xf32>,
        %mul3A_174 = arith.mulf %get3A_71, %gather3A_173 : vector<16xf32>
        %broadcast_in_dim3A_175 = arith.constant 5 : i32
        %broadcast_in_dim3A_176 = vector.broadcast %broadcast_in_dim3A_175 : i32 to vector<16xi32>
        %gather3A_177 = tpu.vector_load_idx %arg21[%add3A_70, %broadcast_in_dim3A_176] : memref<1024x16xf32, #tpu.memory_space<vmem>>[vector<16xi32>, vector<16xi32>], vector<16xf32>,
        %mul3A_178 = arith.mulf %get3A_73, %gather3A_177 : vector<16xf32>
        %add3A_179 = arith.addf %mul3A_174, %mul3A_178 : vector<16xf32>
        %broadcast_in_dim3A_180 = arith.constant 5 : i32
        %broadcast_in_dim3A_181 = vector.broadcast %broadcast_in_dim3A_180 : i32 to vector<16xi32>
        %gather3A_182 = tpu.vector_load_idx %arg22[%add3A_70, %broadcast_in_dim3A_181] : memref<1024x16xf32, #tpu.memory_space<vmem>>[vector<16xi32>, vector<16xi32>], vector<16xf32>,
        %mul3A_183 = arith.mulf %get3A_75, %gather3A_182 : vector<16xf32>
        %add3A_184 = arith.addf %add3A_179, %mul3A_183 : vector<16xf32>
        %broadcast_in_dim3A_185 = arith.constant 5 : i32
        %broadcast_in_dim3A_186 = vector.broadcast %broadcast_in_dim3A_185 : i32 to vector<16xi32>
        %gather3A_187 = tpu.vector_load_idx %arg23[%add3A_70, %broadcast_in_dim3A_186] : memref<1024x16xf32, #tpu.memory_space<vmem>>[vector<16xi32>, vector<16xi32>], vector<16xf32>,
        %mul3A_188 = arith.mulf %get3A_77, %gather3A_187 : vector<16xf32>
        %add3A_189 = arith.addf %add3A_184, %mul3A_188 : vector<16xf32>
        %broadcast_in_dim3A_190 = arith.constant 6 : i32
        %broadcast_in_dim3A_191 = vector.broadcast %broadcast_in_dim3A_190 : i32 to vector<16xi32>
        %gather3A_192 = tpu.vector_load_idx %arg20[%add3A_70, %broadcast_in_dim3A_191] : memref<1024x16xf32, #tpu.memory_space<vmem>>[vector<16xi32>, vector<16xi32>], vector<16xf32>,
        %mul3A_193 = arith.mulf %get3A_71, %gather3A_192 : vector<16xf32>
        %broadcast_in_dim3A_194 = arith.constant 6 : i32
        %broadcast_in_dim3A_195 = vector.broadcast %broadcast_in_dim3A_194 : i32 to vector<16xi32>
        %gather3A_196 = tpu.vector_load_idx %arg21[%add3A_70, %broadcast_in_dim3A_195] : memref<1024x16xf32, #tpu.memory_space<vmem>>[vector<16xi32>, vector<16xi32>], vector<16xf32>,
        %mul3A_197 = arith.mulf %get3A_73, %gather3A_196 : vector<16xf32>
        %add3A_198 = arith.addf %mul3A_193, %mul3A_197 : vector<16xf32>
        %broadcast_in_dim3A_199 = arith.constant 6 : i32
        %broadcast_in_dim3A_200 = vector.broadcast %broadcast_in_dim3A_199 : i32 to vector<16xi32>
        %gather3A_201 = tpu.vector_load_idx %arg22[%add3A_70, %broadcast_in_dim3A_200] : memref<1024x16xf32, #tpu.memory_space<vmem>>[vector<16xi32>, vector<16xi32>], vector<16xf32>,
        %mul3A_202 = arith.mulf %get3A_75, %gather3A_201 : vector<16xf32>
        %add3A_203 = arith.addf %add3A_198, %mul3A_202 : vector<16xf32>
        %broadcast_in_dim3A_204 = arith.constant 6 : i32
        %broadcast_in_dim3A_205 = vector.broadcast %broadcast_in_dim3A_204 : i32 to vector<16xi32>
        %gather3A_206 = tpu.vector_load_idx %arg23[%add3A_70, %broadcast_in_dim3A_205] : memref<1024x16xf32, #tpu.memory_space<vmem>>[vector<16xi32>, vector<16xi32>], vector<16xf32>,
        %mul3A_207 = arith.mulf %get3A_77, %gather3A_206 : vector<16xf32>
        %add3A_208 = arith.addf %add3A_203, %mul3A_207 : vector<16xf32>
        %broadcast_in_dim3A_209 = arith.constant 7 : i32
        %broadcast_in_dim3A_210 = vector.broadcast %broadcast_in_dim3A_209 : i32 to vector<16xi32>
        %gather3A_211 = tpu.vector_load_idx %arg20[%add3A_70, %broadcast_in_dim3A_210] : memref<1024x16xf32, #tpu.memory_space<vmem>>[vector<16xi32>, vector<16xi32>], vector<16xf32>,
        %mul3A_212 = arith.mulf %get3A_71, %gather3A_211 : vector<16xf32>
        %broadcast_in_dim3A_213 = arith.constant 7 : i32
        %broadcast_in_dim3A_214 = vector.broadcast %broadcast_in_dim3A_213 : i32 to vector<16xi32>
        %gather3A_215 = tpu.vector_load_idx %arg21[%add3A_70, %broadcast_in_dim3A_214] : memref<1024x16xf32, #tpu.memory_space<vmem>>[vector<16xi32>, vector<16xi32>], vector<16xf32>,
        %mul3A_216 = arith.mulf %get3A_73, %gather3A_215 : vector<16xf32>
        %add3A_217 = arith.addf %mul3A_212, %mul3A_216 : vector<16xf32>
        %broadcast_in_dim3A_218 = arith.constant 7 : i32
        %broadcast_in_dim3A_219 = vector.broadcast %broadcast_in_dim3A_218 : i32 to vector<16xi32>
        %gather3A_220 = tpu.vector_load_idx %arg22[%add3A_70, %broadcast_in_dim3A_219] : memref<1024x16xf32, #tpu.memory_space<vmem>>[vector<16xi32>, vector<16xi32>], vector<16xf32>,
        %mul3A_221 = arith.mulf %get3A_75, %gather3A_220 : vector<16xf32>
        %add3A_222 = arith.addf %add3A_217, %mul3A_221 : vector<16xf32>
        %broadcast_in_dim3A_223 = arith.constant 7 : i32
        %broadcast_in_dim3A_224 = vector.broadcast %broadcast_in_dim3A_223 : i32 to vector<16xi32>
        %gather3A_225 = tpu.vector_load_idx %arg23[%add3A_70, %broadcast_in_dim3A_224] : memref<1024x16xf32, #tpu.memory_space<vmem>>[vector<16xi32>, vector<16xi32>], vector<16xf32>,
        %mul3A_226 = arith.mulf %get3A_77, %gather3A_225 : vector<16xf32>
        %add3A_227 = arith.addf %add3A_222, %mul3A_226 : vector<16xf32>
        %broadcast_in_dim3A_228 = arith.constant 8 : i32
        %broadcast_in_dim3A_229 = vector.broadcast %broadcast_in_dim3A_228 : i32 to vector<16xi32>
        %gather3A_230 = tpu.vector_load_idx %arg20[%add3A_70, %broadcast_in_dim3A_229] : memref<1024x16xf32, #tpu.memory_space<vmem>>[vector<16xi32>, vector<16xi32>], vector<16xf32>,
        %mul3A_231 = arith.mulf %get3A_71, %gather3A_230 : vector<16xf32>
        %broadcast_in_dim3A_232 = arith.constant 8 : i32
        %broadcast_in_dim3A_233 = vector.broadcast %broadcast_in_dim3A_232 : i32 to vector<16xi32>
        %gather3A_234 = tpu.vector_load_idx %arg21[%add3A_70, %broadcast_in_dim3A_233] : memref<1024x16xf32, #tpu.memory_space<vmem>>[vector<16xi32>, vector<16xi32>], vector<16xf32>,
        %mul3A_235 = arith.mulf %get3A_73, %gather3A_234 : vector<16xf32>
        %add3A_236 = arith.addf %mul3A_231, %mul3A_235 : vector<16xf32>
        %broadcast_in_dim3A_237 = arith.constant 8 : i32
        %broadcast_in_dim3A_238 = vector.broadcast %broadcast_in_dim3A_237 : i32 to vector<16xi32>
        %gather3A_239 = tpu.vector_load_idx %arg22[%add3A_70, %broadcast_in_dim3A_238] : memref<1024x16xf32, #tpu.memory_space<vmem>>[vector<16xi32>, vector<16xi32>], vector<16xf32>,
        %mul3A_240 = arith.mulf %get3A_75, %gather3A_239 : vector<16xf32>
        %add3A_241 = arith.addf %add3A_236, %mul3A_240 : vector<16xf32>
        %broadcast_in_dim3A_242 = arith.constant 8 : i32
        %broadcast_in_dim3A_243 = vector.broadcast %broadcast_in_dim3A_242 : i32 to vector<16xi32>
        %gather3A_244 = tpu.vector_load_idx %arg23[%add3A_70, %broadcast_in_dim3A_243] : memref<1024x16xf32, #tpu.memory_space<vmem>>[vector<16xi32>, vector<16xi32>], vector<16xf32>,
        %mul3A_245 = arith.mulf %get3A_77, %gather3A_244 : vector<16xf32>
        %add3A_246 = arith.addf %add3A_241, %mul3A_245 : vector<16xf32>
        %broadcast_in_dim3A_247 = arith.constant 9 : i32
        %broadcast_in_dim3A_248 = vector.broadcast %broadcast_in_dim3A_247 : i32 to vector<16xi32>
        %gather3A_249 = tpu.vector_load_idx %arg20[%add3A_70, %broadcast_in_dim3A_248] : memref<1024x16xf32, #tpu.memory_space<vmem>>[vector<16xi32>, vector<16xi32>], vector<16xf32>,
        %mul3A_250 = arith.mulf %get3A_71, %gather3A_249 : vector<16xf32>
        %broadcast_in_dim3A_251 = arith.constant 9 : i32
        %broadcast_in_dim3A_252 = vector.broadcast %broadcast_in_dim3A_251 : i32 to vector<16xi32>
        %gather3A_253 = tpu.vector_load_idx %arg21[%add3A_70, %broadcast_in_dim3A_252] : memref<1024x16xf32, #tpu.memory_space<vmem>>[vector<16xi32>, vector<16xi32>], vector<16xf32>,
        %mul3A_254 = arith.mulf %get3A_73, %gather3A_253 : vector<16xf32>
        %add3A_255 = arith.addf %mul3A_250, %mul3A_254 : vector<16xf32>
        %broadcast_in_dim3A_256 = arith.constant 9 : i32
        %broadcast_in_dim3A_257 = vector.broadcast %broadcast_in_dim3A_256 : i32 to vector<16xi32>
        %gather3A_258 = tpu.vector_load_idx %arg22[%add3A_70, %broadcast_in_dim3A_257] : memref<1024x16xf32, #tpu.memory_space<vmem>>[vector<16xi32>, vector<16xi32>], vector<16xf32>,
        %mul3A_259 = arith.mulf %get3A_75, %gather3A_258 : vector<16xf32>
        %add3A_260 = arith.addf %add3A_255, %mul3A_259 : vector<16xf32>
        %broadcast_in_dim3A_261 = arith.constant 9 : i32
        %broadcast_in_dim3A_262 = vector.broadcast %broadcast_in_dim3A_261 : i32 to vector<16xi32>
        %gather3A_263 = tpu.vector_load_idx %arg23[%add3A_70, %broadcast_in_dim3A_262] : memref<1024x16xf32, #tpu.memory_space<vmem>>[vector<16xi32>, vector<16xi32>], vector<16xf32>,
        %mul3A_264 = arith.mulf %get3A_77, %gather3A_263 : vector<16xf32>
        %add3A_265 = arith.addf %add3A_260, %mul3A_264 : vector<16xf32>
        %broadcast_in_dim3A_266 = arith.constant 10 : i32
        %broadcast_in_dim3A_267 = vector.broadcast %broadcast_in_dim3A_266 : i32 to vector<16xi32>
        %gather3A_268 = tpu.vector_load_idx %arg20[%add3A_70, %broadcast_in_dim3A_267] : memref<1024x16xf32, #tpu.memory_space<vmem>>[vector<16xi32>, vector<16xi32>], vector<16xf32>,
        %mul3A_269 = arith.mulf %get3A_71, %gather3A_268 : vector<16xf32>
        %broadcast_in_dim3A_270 = arith.constant 10 : i32
        %broadcast_in_dim3A_271 = vector.broadcast %broadcast_in_dim3A_270 : i32 to vector<16xi32>
        %gather3A_272 = tpu.vector_load_idx %arg21[%add3A_70, %broadcast_in_dim3A_271] : memref<1024x16xf32, #tpu.memory_space<vmem>>[vector<16xi32>, vector<16xi32>], vector<16xf32>,
        %mul3A_273 = arith.mulf %get3A_73, %gather3A_272 : vector<16xf32>
        %add3A_274 = arith.addf %mul3A_269, %mul3A_273 : vector<16xf32>
        %broadcast_in_dim3A_275 = arith.constant 10 : i32
        %broadcast_in_dim3A_276 = vector.broadcast %broadcast_in_dim3A_275 : i32 to vector<16xi32>
        %gather3A_277 = tpu.vector_load_idx %arg22[%add3A_70, %broadcast_in_dim3A_276] : memref<1024x16xf32, #tpu.memory_space<vmem>>[vector<16xi32>, vector<16xi32>], vector<16xf32>,
        %mul3A_278 = arith.mulf %get3A_75, %gather3A_277 : vector<16xf32>
        %add3A_279 = arith.addf %add3A_274, %mul3A_278 : vector<16xf32>
        %broadcast_in_dim3A_280 = arith.constant 10 : i32
        %broadcast_in_dim3A_281 = vector.broadcast %broadcast_in_dim3A_280 : i32 to vector<16xi32>
        %gather3A_282 = tpu.vector_load_idx %arg23[%add3A_70, %broadcast_in_dim3A_281] : memref<1024x16xf32, #tpu.memory_space<vmem>>[vector<16xi32>, vector<16xi32>], vector<16xf32>,
        %mul3A_283 = arith.mulf %get3A_77, %gather3A_282 : vector<16xf32>
        %add3A_284 = arith.addf %add3A_279, %mul3A_283 : vector<16xf32>
        %broadcast_in_dim3A_285 = arith.constant 11 : i32
        %broadcast_in_dim3A_286 = vector.broadcast %broadcast_in_dim3A_285 : i32 to vector<16xi32>
        %gather3A_287 = tpu.vector_load_idx %arg20[%add3A_70, %broadcast_in_dim3A_286] : memref<1024x16xf32, #tpu.memory_space<vmem>>[vector<16xi32>, vector<16xi32>], vector<16xf32>,
        %mul3A_288 = arith.mulf %get3A_71, %gather3A_287 : vector<16xf32>
        %broadcast_in_dim3A_289 = arith.constant 11 : i32
        %broadcast_in_dim3A_290 = vector.broadcast %broadcast_in_dim3A_289 : i32 to vector<16xi32>
        %gather3A_291 = tpu.vector_load_idx %arg21[%add3A_70, %broadcast_in_dim3A_290] : memref<1024x16xf32, #tpu.memory_space<vmem>>[vector<16xi32>, vector<16xi32>], vector<16xf32>,
        %mul3A_292 = arith.mulf %get3A_73, %gather3A_291 : vector<16xf32>
        %add3A_293 = arith.addf %mul3A_288, %mul3A_292 : vector<16xf32>
        %broadcast_in_dim3A_294 = arith.constant 11 : i32
        %broadcast_in_dim3A_295 = vector.broadcast %broadcast_in_dim3A_294 : i32 to vector<16xi32>
        %gather3A_296 = tpu.vector_load_idx %arg22[%add3A_70, %broadcast_in_dim3A_295] : memref<1024x16xf32, #tpu.memory_space<vmem>>[vector<16xi32>, vector<16xi32>], vector<16xf32>,
        %mul3A_297 = arith.mulf %get3A_75, %gather3A_296 : vector<16xf32>
        %add3A_298 = arith.addf %add3A_293, %mul3A_297 : vector<16xf32>
        %broadcast_in_dim3A_299 = arith.constant 11 : i32
        %broadcast_in_dim3A_300 = vector.broadcast %broadcast_in_dim3A_299 : i32 to vector<16xi32>
        %gather3A_301 = tpu.vector_load_idx %arg23[%add3A_70, %broadcast_in_dim3A_300] : memref<1024x16xf32, #tpu.memory_space<vmem>>[vector<16xi32>, vector<16xi32>], vector<16xf32>,
        %mul3A_302 = arith.mulf %get3A_77, %gather3A_301 : vector<16xf32>
        %add3A_303 = arith.addf %add3A_298, %mul3A_302 : vector<16xf32>
        %broadcast_in_dim3A_304 = arith.constant 0 : i32
        %broadcast_in_dim3A_305 = vector.broadcast %broadcast_in_dim3A_304 : i32 to vector<16xi32>
        %gather3A_306 = tpu.vector_load_idx %arg11[%add3A_70, %broadcast_in_dim3A_305] : memref<1024x3xf32, #tpu.memory_space<vmem>>[vector<16xi32>, vector<16xi32>], vector<16xf32>,
        %broadcast_in_dim3A_307 = arith.constant 1 : i32
        %broadcast_in_dim3A_308 = vector.broadcast %broadcast_in_dim3A_307 : i32 to vector<16xi32>
        %gather3A_309 = tpu.vector_load_idx %arg11[%add3A_70, %broadcast_in_dim3A_308] : memref<1024x3xf32, #tpu.memory_space<vmem>>[vector<16xi32>, vector<16xi32>], vector<16xf32>,
        %broadcast_in_dim3A_310 = arith.constant 2 : i32
        %broadcast_in_dim3A_311 = vector.broadcast %broadcast_in_dim3A_310 : i32 to vector<16xi32>
        %gather3A_312 = tpu.vector_load_idx %arg11[%add3A_70, %broadcast_in_dim3A_311] : memref<1024x3xf32, #tpu.memory_space<vmem>>[vector<16xi32>, vector<16xi32>], vector<16xf32>,
        %mul3A_313 = arith.mulf %gather3A_306, %add3A_94 : vector<16xf32>
        %mul3A_314 = arith.mulf %gather3A_309, %add3A_151 : vector<16xf32>
        %add3A_315 = arith.addf %mul3A_313, %mul3A_314 : vector<16xf32>
        %mul3A_316 = arith.mulf %gather3A_312, %add3A_208 : vector<16xf32>
        %add3A_317 = arith.addf %add3A_315, %mul3A_316 : vector<16xf32>
        %add3A_318 = arith.addf %add3A_317, %add3A_265 : vector<16xf32>
        %broadcast_in_dim3A_319 = arith.constant 0 : i32
        %broadcast_in_dim3A_320 = vector.broadcast %broadcast_in_dim3A_319 : i32 to vector<16xi32>
        tpu.vector_store_idx %arg24[%add3A_70, %broadcast_in_dim3A_320], %add3A_318 : memref<1024x3xf32, #tpu.memory_space<vmem>>[vector<16xi32>, vector<16xi32>], vector<16xf32>,
        %mul3A_321 = arith.mulf %gather3A_306, %add3A_113 : vector<16xf32>
        %mul3A_322 = arith.mulf %gather3A_309, %add3A_170 : vector<16xf32>
        %add3A_323 = arith.addf %mul3A_321, %mul3A_322 : vector<16xf32>
        %mul3A_324 = arith.mulf %gather3A_312, %add3A_227 : vector<16xf32>
        %add3A_325 = arith.addf %add3A_323, %mul3A_324 : vector<16xf32>
        %add3A_326 = arith.addf %add3A_325, %add3A_284 : vector<16xf32>
        %broadcast_in_dim3A_327 = arith.constant 1 : i32
        %broadcast_in_dim3A_328 = vector.broadcast %broadcast_in_dim3A_327 : i32 to vector<16xi32>
        tpu.vector_store_idx %arg24[%add3A_70, %broadcast_in_dim3A_328], %add3A_326 : memref<1024x3xf32, #tpu.memory_space<vmem>>[vector<16xi32>, vector<16xi32>], vector<16xf32>,
        %mul3A_329 = arith.mulf %gather3A_306, %add3A_132 : vector<16xf32>
        %mul3A_330 = arith.mulf %gather3A_309, %add3A_189 : vector<16xf32>
        %add3A_331 = arith.addf %mul3A_329, %mul3A_330 : vector<16xf32>
        %mul3A_332 = arith.mulf %gather3A_312, %add3A_246 : vector<16xf32>
        %add3A_333 = arith.addf %add3A_331, %mul3A_332 : vector<16xf32>
        %add3A_334 = arith.addf %add3A_333, %add3A_303 : vector<16xf32>
        %broadcast_in_dim3A_335 = arith.constant 2 : i32
        %broadcast_in_dim3A_336 = vector.broadcast %broadcast_in_dim3A_335 : i32 to vector<16xi32>
        tpu.vector_store_idx %arg24[%add3A_70, %broadcast_in_dim3A_336], %add3A_334 : memref<1024x3xf32, #tpu.memory_space<vmem>>[vector<16xi32>, vector<16xi32>], vector<16xf32>,
      }
      %scan3A_65 = arith.constant 64 : i32
      "tpu.region"() ({
        %run_scoped3A = tpu.sem_alloc : memref<!tpu.dma_semaphore, #tpu.memory_space<semaphore_mem>>
        %dma_start3A_66 = arith.constant 0 : i32
        %dma_start3A_67 = tpu.memref_slice %arg7[%add3A_11, %dma_start3A_66] : memref<1048576x3xf32, #tpu.memory_space<hbm>> -> memref<1024x3xf32, #tpu.memory_space<hbm>>
        %dma_start3A_68 = arith.constant 0 : i32
        %dma_start3A_69 = tpu.memref_slice %arg7[%add3A_11, %dma_start3A_68] : memref<1048576x3xf32, #tpu.memory_space<hbm>> -> memref<1024x3xf32, #tpu.memory_space<hbm>>
        tpu.enqueue_dma source(%arg24 : memref<1024x3xf32, #tpu.memory_space<vmem>>) target(%dma_start3A_69 : memref<1024x3xf32, #tpu.memory_space<hbm>>) target_semaphore(%run_scoped3A : memref<!tpu.dma_semaphore, #tpu.memory_space<semaphore_mem>>)
        %dma_wait3A_70 = arith.constant 0 : i32
        %dma_wait3A_71 = tpu.memref_slice %arg7[%add3A_11, %dma_wait3A_70] : memref<1048576x3xf32, #tpu.memory_space<hbm>> -> memref<1024x3xf32, #tpu.memory_space<hbm>>
        %dma_wait3A_72 = arith.constant 0 : i32
        %dma_wait3A_73 = tpu.memref_slice %arg7[%add3A_11, %dma_wait3A_72] : memref<1048576x3xf32, #tpu.memory_space<hbm>> -> memref<1024x3xf32, #tpu.memory_space<hbm>>
        tpu.wait_dma2 semaphore(%run_scoped3A : memref<!tpu.dma_semaphore, #tpu.memory_space<semaphore_mem>>) src(%arg24 : memref<1024x3xf32, #tpu.memory_space<vmem>>) dst(%dma_wait3A_73 : memref<1024x3xf32, #tpu.memory_space<hbm>>)
        tpu.yield
      }) : () -> ()
    }
    %scan3A_5 = arith.constant 32 : i32
    return
  }
}

</mosaic_0001>

<sc_bundles>
// kernel: kernel.3.cloned.1.call-start
scs
__scs_entry_jumppad:
0x0: {  	(pc) =	sbr.rel $0x88, $3  }
0x1: {  	(tag) =	ssettag $0x0;
	lr =	simm.s32 $0x1  }
0x2: {  	[smem:$0x3F9B] =	sst lr;
	_ =	strace $0xD0000000  }
0x3: {  	_ = 	snop  }
0x4: {  	_ = 	snop  }
0x5: {  	_ = 	snop  }
0x6: {  	_ = 	snop  }
0x7: {  	_ = 	snop  }
__scs_overlays_trampoline_lowered:
0x8: {  	[smem:$0x3FAA] =	sst s0  }
0x9: {  	[smem:$0x3FAB] =	sst s1  }
0xa: {  	[smem:$0x3FAC] =	sst s2  }
0xb: {  	[smem:$0x3FAD] =	sst s3  }
0xc: {  	[smem:$0x3FAE] =	sst s4  }
0xd: {  	[smem:$0x3FAF] =	sst s5  }
0xe: {  	[smem:$0x3FB0] =	sst s6  }
0xf: {  	[smem:$0x3FB1] =	sst s7  }
0x10: {  	[smem:$0x3FB2] =	sst s8  }
0x11: {  	[smem:$0x3FB3] =	sst s9;
	s0 =	simm.s32 @!p0 $0x0  }
0x12: {  	s1 =	sld [smem:$0x3F99];
	s0 =	simm.s32 @p0 $0x1  }
0x13: {  	[smem:$0x3FB4] =	sst s0;
	s0 =	simm.s32 @!p1 $0x0  }
0x14: {  	s2 =	sld [smem:$0x3F98];
	s0 =	simm.s32 @p1 $0x1  }
0x15: {  	[smem:$0x3FB5] =	sst s0;
	s0 =	simm.s32 @!p2 $0x0  }
0x16: {  	s3 =	sld [smem:$0x3FDB];
	s0 =	simm.s32 @p2 $0x1  }
0x17: {  	s4 =	simm.s32 $0x1BF5;
	[smem:$0x3FB7] =	sst s0  }
0x18: {  	s0 =	sld [smem:$0x3F9A];
	_ =	swait.ge [sflag:s4], $0x0  }
0x19: {  	s7 =	sld [smem:$0x3F9B]  }
0x1a: {  	s8 =	sadd.s32 $0xFFFFE003, lr  }
0x1b: {  	s9 =	sadd.s32 $0xFFFFFEF7, lr;
	s5 =	simm.s32 $0xFFFFFFFF;
	p2 =	slt.u32 s8, $0xFFFFF086  }
0x1c: {  	p1 =	slt.u32 s9, $0xF7A;
	s5 =	simm.s32 @!p2 $0x0  }
0x1d: {  	s5 =	simm.s32 @p1 $0x1;
	p0 =	seq.s32 s7, s2  }
0x1e: {  	s7 =	smul.u32 @!p0 $0xF7A, s2;
	p2 =	seq.s32 @!p0 s5, $0x0  }
0x1f: {  	s9 =	smul.u32 $0xF7A, s1;
	s8 =	simm.s32 @!p0 $0x1BF5;
	p2 =	por !p2, p0  }
0x20: {  	[sflag:s8] =	ssyncset.s32 @!p0 $0xFFFFF086;
	s6 =	sadd.s32 @!p0 s3, s7;
	s7 =	simm.s32 @!p0 $0x108  }
0x21: {  	s3 =	sadd.s32 s3, s9;
	s6 =	sadd.s32 @!p0 $0x88, s6;
	s7 =	simm.s32 @p2 $0x1082  }
0x22: {  	[simem:s7], [sflag:s8] =	dma.local @!p0 [hbm:s6], $0xF7A  }
0x23: {  	s9 =	sor.u32 $0xD0000000, s2;
	s6 =	simm.s32 $0x108;
	_ =	swait.ge @!p0 [sflag:s8], $0x0  }
0x24: {  	s3 =	sadd.s32 $0x88, s3;
	s6 =	simm.s32 @!p1 $0x1082;
	[sflag:s4] =	ssyncset.s32 $0xFFFFF086  }
0x25: {  	[simem:s6], [sflag:s4] =	dma.local [hbm:s3], $0xF7A  }
0x26: {  	[smem:$0x3F9B] =	sst s1;
	(tag) =	ssettag s2;
	_ =	strace s9  }
0x27: {  	s1 =	sld [smem:$0x3FAB]  }
0x28: {  	s2 =	sld [smem:$0x3FAC]  }
0x29: {  	s4 =	sld [smem:$0x3FAE]  }
0x2a: {  	p0 =	seq.s32 s5, $0x0;
	s5 =	sld [smem:$0x3FAF]  }
0x2b: {  	s6 =	sld [smem:$0x3FB0]  }
0x2c: {  	s7 =	sld [smem:$0x3FB1]  }
0x2d: {  	s3 =	simm.s32 $0x108;
	s8 =	sld [smem:$0x3FB2]  }
0x2e: {  	s3 =	simm.s32 @!p0 $0x1082;
	s9 =	sld [smem:$0x3FB3]  }
0x2f: {  	lr =	sadd.s32 s0, s3;
	s0 =	sld [smem:$0x3FAA]  }
0x30: {  	s3 =	sld [smem:$0x3FAD]  }
0x31: {  	[smem:$0x3FB6] =	sst s10  }
0x32: {  	s10 =	sld [smem:$0x3FB4];
	_ =	sdelay $0x3  }
0x33: {  	p0 =	seq.s32 s10, $0x1;
	s10 =	sld [smem:$0x3FB6];
	_ =	sdelay $0x3  }
0x34: {  	[smem:$0x3FB6] =	sst s10  }
0x35: {  	s10 =	sld [smem:$0x3FB5];
	_ =	sdelay $0x3  }
0x36: {  	p1 =	seq.s32 s10, $0x1;
	s10 =	sld [smem:$0x3FB6];
	_ =	sdelay $0x3  }
0x37: {  	[smem:$0x3FB6] =	sst s10  }
0x38: {  	s10 =	sld [smem:$0x3FB7]  }
0x39: {  	_ = 	snop;
	(pc) =	sbr.ind lr, $3  }
0x3a: {  	_ = 	snop  }
0x3b: {  	_ = 	snop  }
0x3c: {  	p2 =	seq.s32 s10, $0x1;
	s10 =	sld [smem:$0x3FB6]  }
0x3d: {  	_ =	shalt  }
0x3e: {  	_ =	shalt  }
0x3f: {  	_ =	shalt  }
0x40: {  	_ =	shalt  }
0x41: {  	_ =	shalt  }
0x42: {  	_ =	shalt  }
0x43: {  	_ =	shalt  }
0x44: {  	_ =	shalt  }
0x45: {  	_ =	shalt  }
0x46: {  	_ =	shalt  }
0x47: {  	_ =	shalt  }
0x48: {  	_ =	shalt  }
0x49: {  	_ =	shalt  }
0x4a: {  	_ =	shalt  }
0x4b: {  	_ =	shalt  }
0x4c: {  	_ =	shalt  }
0x4d: {  	_ =	shalt  }
0x4e: {  	_ =	shalt  }
0x4f: {  	_ =	shalt  }
0x50: {  	_ =	shalt  }
0x51: {  	_ =	shalt  }
0x52: {  	_ =	shalt  }
0x53: {  	_ =	shalt  }
0x54: {  	_ =	shalt  }
0x55: {  	_ =	shalt  }
0x56: {  	_ =	shalt  }
0x57: {  	_ =	shalt  }
0x58: {  	_ =	shalt  }
0x59: {  	_ =	shalt  }
0x5a: {  	_ =	shalt  }
0x5b: {  	_ =	shalt  }
0x5c: {  	_ =	shalt  }
0x5d: {  	_ =	shalt  }
0x5e: {  	_ =	shalt  }
0x5f: {  	_ =	shalt  }
0x60: {  	_ =	shalt  }
0x61: {  	_ =	shalt  }
0x62: {  	_ =	shalt  }
0x63: {  	_ =	shalt  }
0x64: {  	_ =	shalt  }
0x65: {  	_ =	shalt  }
0x66: {  	_ =	shalt  }
0x67: {  	_ =	shalt  }
0x68: {  	_ =	shalt  }
0x69: {  	_ =	shalt  }
0x6a: {  	_ =	shalt  }
0x6b: {  	_ =	shalt  }
0x6c: {  	_ =	shalt  }
0x6d: {  	_ =	shalt  }
0x6e: {  	_ =	shalt  }
0x6f: {  	_ =	shalt  }
0x70: {  	_ =	shalt  }
0x71: {  	_ =	shalt  }
0x72: {  	_ =	shalt  }
0x73: {  	_ =	shalt  }
0x74: {  	_ =	shalt  }
0x75: {  	_ =	shalt  }
0x76: {  	_ =	shalt  }
0x77: {  	_ =	shalt  }
0x78: {  	_ =	shalt  }
0x79: {  	_ =	shalt  }
0x7a: {  	_ =	shalt  }
0x7b: {  	_ =	shalt  }
0x7c: {  	_ =	shalt  }
0x7d: {  	_ =	shalt  }
0x7e: {  	_ =	shalt  }
0x7f: {  	_ =	shalt  }
0x80: {  	_ =	shalt  }
0x81: {  	_ =	shalt  }
0x82: {  	_ =	shalt  }
0x83: {  	_ =	shalt  }
0x84: {  	_ =	shalt  }
0x85: {  	_ =	shalt  }
0x86: {  	_ =	shalt  }
0x87: {  	_ =	shalt  }
.Lfunc_end0:
.L_simem_size_0:
called_computation.2_lowered:
.L_overlay_start_0:
0x88: {  	s2 =	sld [smem:$0x3FD9]  }
0x89: {  	s3 =	sld [smem:$0x3FFE];
	_ =	sdelay $0x1  }
0x8a: {  	s1 =	srdreg.scid  }
0x8b: {  	s0 =	sand.u32 $0x1, s1  }
0x8c: {  	s17 =	sshll.u32 s0, $0xA;
	s2 =	sadd.s32 s3, s2  }
0x8d: {  	s2 =	sadd.s32 s2, s17  }
0x8e: {  	[smem:$0x3FC2] =	sst s2  }
0x8f: {  	_ = 	snop  }
0x90: {  	s2 =	sld [smem:$0x3FC8]  }
0x91: {  	s18 =	sld [smem:$0x3FC7]  }
0x92: {  	s4 =	sld [smem:$0x3FC6];
	(tm) =	ssettm $0x1  }
0x93: {  	s5 =	sld [smem:$0x3FFB];
	_ =	sdelay $0x3  }
0x94: {  	_ =	strace s5  }
0x95: {  	s5 =	sld [smem:$0x3FFC];
	_ =	sdelay $0x3  }
0x96: {  	_ =	strace s5  }
0x97: {  	s5 =	sld [smem:$0x3FFD];
	_ =	sdelay $0x3  }
0x98: {  	_ =	strace s5  }
0x99: {  	_ =	strace $0x8FFFFFFF  }
0x9a: {  	s19 =	sld [smem:$0x3FDB];
	_ =	sdelay $0x1  }
0x9b: {  	s6 =	simm.s32 $_scs_section_size  }
0x9c: {  	s7 =	simm.s32 $_size__tile_overlayer_lowered;
	s8 =	simm.s32 $_tile_overlayer_lowered  }
0x9d: {  	s22 =	simm.s32 $0x1BFF;
	s21 =	sshll.u32 s8, $0x1;
	s5 =	sadd.s32 s6, s19  }
0x9e: {  	s9 =	simm.s32 $0x0;
	s20 =	sshll.u32 s7, $0x1;
	s7 =	sadd.s32 s21, s5  }
0x9f: {  	[timem:s9], [sflag:s22] =	dma.local [hbm:s7], s20  }
0xa0: {  	_ =	swait.ge [sflag:s22], s20  }
0xa1: {  	s6 =	ssub.s32 $0x0, s20;
	[sflag:s22] =	ssyncset.done $0x0  }
0xa2: {  	[sflag:s22] =	ssyncadd.s32 s6;
	_ =	sdelay $0x1  }
0xa3: {  	s23 =	simm.s32 $0x1B8B  }
0xa4: {  	_ =	swait.ge [sflag:s23], $0x1  }
0xa5: {  	[sflag:s23] =	ssyncset.done $0x0  }
0xa6: {  	s25 =	simm.s32 $0x1B8E;
	s24 =	sld [smem:$0x3FFE];
	[sflag:s23] =	ssyncadd.s32 $0xFFFFFFFF  }
0xa7: {  	s26 =	simm.s32 $execute0_lowered;
	[smem:$0x3FD2] =	sst s25  }
0xa8: {  	s7 =	sshll.u32 s26, $0x1;
	_ =	strace $0x8000004C;
	[dreg:$0x1] =	wrdreg $0xFFFFFFFF  }
0xa9: {  	s28 =	simm.s32 $_size_execute0_lowered;
	s5 =	sadd.s32 s5, s7;
	[dreg:$0x0] =	wrdreg $0x0  }
0xaa: {  	s7 =	sshll.u32 s28, $0x1;
	[dreg:$0x2] =	wrdreg s5  }
0xab: {  	[dreg:$0x3] =	wrdreg s7  }
0xac: {  	[dreg:$0x4] =	wrdreg $0xC0  }
0xad: {  	_ =	task [dreg:s9], $0x5FFFF  }
0xae: {  	[dreg:$0x1] =	wrdreg $0xFFFFFFFF  }
0xaf: {  	[dreg:$0x0] =	wrdreg $0x60  }
0xb0: {  	[dreg:$0x2] =	wrdreg s24  }
0xb1: {  	[dreg:$0x3] =	wrdreg s2  }
0xb2: {  	[dreg:$0x4] =	wrdreg s18  }
0xb3: {  	[dreg:$0x5] =	wrdreg s4  }
0xb4: {  	[dreg:$0x6] =	wrdreg $0x9  }
0xb5: {  	_ =	task.clear_ibuf [dreg:s9], $0x7FFFF;
	_ =	strace $0x9000004C  }
0xb6: {  	s29 =	simm.s32 $0x9;
	_ =	strace $0x8000004E  }
0xb7: {  	_ =	swait.ge [sflag:s29], $0x1  }
0xb8: {  	[sflag:s29] =	ssyncadd.s32 $0xFFFFFFFF  }
0xb9: {  	_ =	strace $0x9000004E  }
0xba: {  	_ =	sfence  }
0xbb: {  	s30 =	sld [smem:$0x0];
	_ =	sdelay $0x2  }
0xbc: {  	s31 =	sshll.u32 s1, $0xD;
	s1 =	sshrl.u32 s1, $0x2  }
0xbd: {  	s3 =	sand.u32 $0x4000, s31;
	s1 =	sadd.s32 s1, s30  }
0xbe: {  	s0 =	sor.u32 s3, s0;
	s1 =	sshll.u32 s1, $0x11  }
0xbf: {  	s0 =	sor.u32 s1, s0  }
0xc0: {  	s0 =	sadd.s32 $0x8F2B, s0  }
0xc1: {  	[sflag:s0] =	ssyncadd.remote.s32 $0x1  }
0xc2: {  	_ =	sfence.sel $0xFFFF  }
0xc3: {  	[dreg:$0x0] =	wrdreg $0xFFFFFFFF;
	(pc) =	sbr.abs _section_cstart, $3  }
0xc4: {  	[dreg:$0x1] =	wrdreg $0xFFFFFFFF  }
0xc5: {  	_ =	task.clear_ibuf [dreg:s9], $0x2FFFF;
	_ =	strace $0x9FFFFFFF  }
0xc6: {  	(tm) =	ssettm $0x7FFFFFFF  }
0xc7: {  	_ =	shalt  }
tec
execute0_lowered:
.L_overlay_start_1:
0x0: {  	(tag) =	ssettag $0x1  }
0x1: {  	s0 =	rddreg [dreg:$0x0]  }
0x2: {  	s1 =	rddreg [dreg:$0x1]  }
0x3: {  	s2 =	rddreg [dreg:$0x2]  }
0x4: {  	s3 =	rddreg [dreg:$0x3];
	s4 =	simm.s32 $0x0;
	s5 =	srdreg.scid  }
0x5: {  	s11 =	stileid.u32;
	s12 =	simm.s32 $0x800;
	s13 =	simm.s32 $0xC00  }
0x6: {  	s14 =	simm.s32 $0x1;
	s15 =	simm.s32 $0x2C00;
	s16 =	simm.s32 $0x4C00  }
0x7: {  	s17 =	simm.s32 $0x3000;
	s18 =	simm.s32 $0x8C00;
	s19 =	simm.s32 $0x3400  }
0x8: {  	s20 =	simm.s32 $0xCC00;
	s21 =	simm.s32 $0x3800;
	s22 =	simm.s32 $0x10C00  }
0x9: {  	s23 =	simm.s32 $0x14C00;
	s24 =	simm.s32 $0x2;
	s5 =	sand.u32 $0x1, s5  }
0xa: {  	s25 =	simm.s32 $0x0;
	[smem:$0x7FF] =	sst s4;
	s8 =	ssub.s32 $0x2, s5  }
0xb: {  	s6 =	sadd.s32 $0x15FA000, s0;
	s7 =	sadd.s32 $0x1000, s0;
	s9 =	sshrl.u32 s8, $0x1  }
0xc: {  	s30 =	sshll.u32 s11, $0x10;
	s11 =	simm.s32 $0x400;
	s10 =	ssub.s32 s8, s9  }
0xd: {  	_ =	strace $0x8000004D;
	s5 =	sshll.u32 s5, $0xF;
	s31 =	smax.u32 s10, $0x1  }
0xe: {  	v0 =	vlaneseq.u32;
	s8 =	sadd.s32 $0x272000, s0;
	s9 =	sor.u32 s5, s30;
	[dreg:$0x5] =	wrdreg s31  }
.LBB2_1:
0xf: {  	s26 =	simm.s32 $0x0  }
.LBB2_2:
0x10: {  	s0 =	sshll.u32 s26, $0xA  }
0x11: {  	s28 =	sadd.s32 s9, s0  }
0x12: {  	s0 =	sshrl.u32 s28, $0x3  }
0x13: {  	s10 =	simm.s32 $0x0;
	s5 =	sadd.s32 s2, s0  }
0x14: {  	[tilespmem:s10], [sflag:$0x1] =	stream.linear.gather [hbm4b:s5+s10], $0x400, $0x38;
	[tilespmem:$0x16C00] =	vst v63  }
0x15: {  	s30 =	sadd.s32 s3, s0  }
0x16: {  	[tilespmem:s11], [sflag:$0x1] =	stream.linear.gather [hbm4b:s30+s10], $0x400, $0x38;
	[tilespmem:$0x16C00] =	vst v63  }
0x17: {  	s0 =	sadd.s32 s1, s0  }
0x18: {  	[tilespmem:s12], [sflag:$0x1] =	stream.linear.gather [hbm4b:s0+s10], $0x400, $0x38;
	[tilespmem:$0x16C00] =	vst v63  }
0x19: {  	s31 =	sadd.s32 s6, s28  }
0x1a: {  	[tilespmem:s13], [sflag:$0x1] =	stream.linear.gather [hbm4b:s31+s10], $0x2000, $0x38;
	[tilespmem:$0x16C00] =	vst v63  }
0x1b: {  	_ =	swait.ge [sflag:s14], $0x400  }
0x1c: {  	[sflag:s14] =	ssyncset.done $0x0  }
0x1d: {  	[sflag:s14] =	ssyncadd.s32 $0xFFFFFC00  }
0x1e: {  	_ =	swait.ge [sflag:s14], $0x400  }
0x1f: {  	[sflag:s14] =	ssyncset.done $0x0  }
0x20: {  	[sflag:s14] =	ssyncadd.s32 $0xFFFFFC00  }
0x21: {  	_ =	swait.ge [sflag:s14], $0x400  }
0x22: {  	[sflag:s14] =	ssyncset.done $0x0  }
0x23: {  	[sflag:s14] =	ssyncadd.s32 $0xFFFFFC00  }
0x24: {  	_ =	swait.ge [sflag:s14], $0x2000  }
0x25: {  	[sflag:s14] =	ssyncset.done $0x0  }
0x26: {  	s5 =	simm.s32 $0x0;
	[sflag:s14] =	ssyncadd.s32 $0xFFFFE000  }
0x27: {  	v1 =	vld [tilespmem:s5+$0x0];
	_ =	sdelay $0x1  }
0x28: {  	v2 =	vld [tilespmem:s5+$0x400];
	_ =	sdelay $0x2  }
0x29: {  	v1 =	vmul.f32 $4.000000000e+02, v1;
	_ =	sdelay $0x1  }
0x2a: {  	s0 =	simm.s32 $0x10;
	v2 =	vmul.f32 $4.000000000e+02, v2;
	vm0 =	veq.f32 v1, $4.000000000e+02  }
0x2b: {  	v6 =	vld [tilespmem:s0+$0x0];
	v1 =	vsel vm0, $0x43C78000, v1  }
0x2c: {  	v3 =	vld [tilespmem:s5+$0x800];
	vm12 =	veq.f32 v2, $4.000000000e+02;
	v4 =	vtrunc.f32 v1  }
0x2d: {  	v2 =	vsel vm12, $0x43C78000, v2;
	v4 =	vcvt.f32.s32 v4  }
0x2e: {  	v5 =	vtrunc.f32 v2  }
0x2f: {  	v10 =	vcvt.f32.s32 v5;
	v5 =	vcvt.s32.f32 v4  }
0x30: {  	v6 =	vmul.f32 $4.000000000e+02, v6;
	v7 =	vmul.u32 $0x190, v4;
	vm13 =	veq.s32 v4, $0x18F;
	v4 =	vld [tilespmem:s0+$0x400]  }
0x31: {  	v8 =	vld [tilespmem:s0+$0x800];
	v3 =	vmul.u32 $0x27100, v3;
	v5 =	vsub.f32 v1, v5;
	v1 =	vcvt.s32.f32 v10  }
0x32: {  	vm14 =	veq.f32 v6, $4.000000000e+02;
	vm1 =	veq.s32 v10, $0x18F;
	v9 =	vadd.s32 $0x190, v7  }
0x33: {  	v9 =	vsel vm13, $0x0, v9;
	v2 =	vsub.f32 v2, v1;
	v12 =	vsub.f32 $1.000000000e+00, v5  }
0x34: {  	v11 =	vadd.s32 $0x1, v10;
	v13 =	vadd.s32 v3, v7;
	v9 =	vadd.s32 v3, v9  }
0x35: {  	v4 =	vmul.f32 $4.000000000e+02, v4;
	v3 =	vsub.f32 $1.000000000e+00, v2;
	v7 =	vmul.f32 v2, v12  }
0x36: {  	v11 =	vsel vm1, $0x0, v11;
	v1 =	vmul.u32 $0x27100, v8;
	v8 =	vmul.f32 v2, v5  }
0x37: {  	v2 =	vsel vm14, $0x43C78000, v6;
	vm15 =	veq.f32 v4, $4.000000000e+02;
	v6 =	vmul.f32 v3, v12;
	[tilespmem:s5+$0x4400] =	vst v7  }
0x38: {  	v63 =	vmul.f32 v3, v5;
	v5 =	vtrunc.f32 v2;
	v7 =	vadd.s32 v10, v9;
	[tilespmem:s5+$0x4800] =	vst v8  }
0x39: {  	v3 =	vsel vm15, $0x43C78000, v4;
	v8 =	vadd.s32 v11, v9;
	v5 =	vcvt.f32.s32 v5;
	[tilespmem:s5+$0x3C00] =	vst v6  }
0x3a: {  	s29 =	simm.s32 $0xC0;
	s10 =	simm.s32 $0x20;
	v4 =	vadd.s32 v13, v11;
	v9 =	vtrunc.f32 v3;
	v6 =	vadd.s32 v10, v13;
	[tilespmem:s5+$0x4000] =	vst v63  }
.LBB2_3:
0x3b: {  	p0 =	sne.s32 s29, $0xFC0;
	v10 =	vld [tilespmem:s10+$0x0];
	v11 =	vcvt.f32.s32 v9;
	v9 =	vcvt.s32.f32 v5;
	v12 =	vmul.u32 $0x190, v5;
	[tilespmem:s5+$0x3000] =	vst v7  }
0x3c: {  	vm0 =	veq.s32 v5, $0x18F;
	v7 =	vld [tilespmem:s10+$0x800];
	[tilespmem:s5+$0x3800] =	vst v8  }
0x3d: {  	v5 =	vld [tilespmem:s10+$0x400];
	v8 =	vsub.f32 v2, v9;
	v2 =	vcvt.s32.f32 v11;
	v9 =	vadd.s32 $0x190, v12;
	[tilespmem:s5+$0x2C00] =	vst v6  }
0x3e: {  	vm1 =	veq.s32 v11, $0x18F;
	v6 =	vadd.s32 $0x1, v11;
	v9 =	vsel vm0, $0x0, v9;
	[tilespmem:s5+$0x3400] =	vst v4;
	s5 =	smov.u32 s0;
	s0 =	smov.u32 s10  }
0x3f: {  	v2 =	vsub.f32 v3, v2;
	v4 =	vadd.s32 v1, v9;
	v3 =	vsub.f32 $1.000000000e+00, v8  }
0x40: {  	v12 =	vadd.s32 v1, v12;
	v9 =	vmul.f32 $4.000000000e+02, v10;
	v10 =	vsel vm1, $0x0, v6  }
0x41: {  	v1 =	vmul.u32 $0x27100, v7;
	v6 =	vsub.f32 $1.000000000e+00, v2;
	v7 =	vmul.f32 v2, v3  }
.Ltmp0:
0x42: {  	v13 =	vmul.f32 v2, v8;
	vm0 =	veq.f32 v9, $4.000000000e+02;
	v5 =	vmul.f32 $4.000000000e+02, v5;
	(pc) =	sbr.rel @p0 .LBB2_3-.Ltmp0, $4  }
0x43: {  	v2 =	vsel vm0, $0x43C78000, v9;
	v9 =	vmul.f32 v6, v3;
	v14 =	vmul.f32 v6, v8;
	[tilespmem:s5+$0x4400] =	vst v7  }
0x44: {  	v7 =	vadd.s32 v11, v4;
	vm0 =	veq.f32 v5, $4.000000000e+02;
	v6 =	vtrunc.f32 v2;
	[tilespmem:s5+$0x4800] =	vst v13  }
0x45: {  	v8 =	vadd.s32 v10, v4;
	v3 =	vsel vm0, $0x43C78000, v5;
	v5 =	vcvt.f32.s32 v6;
	[tilespmem:s5+$0x3C00] =	vst v9  }
0x46: {  	s10 =	sshra.s32 s29, $0x2;
	s29 =	sadd.s32 $0x40, s29;
	v4 =	vadd.s32 v12, v10;
	v6 =	vadd.s32 v11, v12;
	v9 =	vtrunc.f32 v3;
	[tilespmem:s5+$0x4000] =	vst v14  }
0x47: {  	v10 =	vld [tilespmem:s10+$0x0];
	[tilespmem:s5+$0x3000] =	vst v7  }
0x48: {  	v7 =	vld [tilespmem:s10+$0x800];
	[tilespmem:s5+$0x3800] =	vst v8  }
0x49: {  	v8 =	vcvt.f32.s32 v9;
	v9 =	vld [tilespmem:s10+$0x400]  }
0x4a: {  	v11 =	vcvt.s32.f32 v5  }
0x4b: {  	v12 =	vcvt.s32.f32 v8  }
0x4c: {  	v2 =	vsub.f32 v2, v11;
	v10 =	vmul.f32 $4.000000000e+02, v10  }
0x4d: {  	vm1 =	veq.s32 v5, $0x18F;
	v3 =	vsub.f32 v3, v12  }
0x4e: {  	v12 =	vsub.f32 $1.000000000e+00, v2;
	vm0 =	veq.f32 v10, $4.000000000e+02;
	v9 =	vmul.f32 $4.000000000e+02, v9  }
0x4f: {  	v11 =	vmul.u32 $0x190, v5;
	v5 =	vsub.f32 $1.000000000e+00, v3;
	v10 =	vsel vm0, $0x43C78000, v10  }
0x50: {  	v13 =	vmul.f32 v3, v12;
	vm12 =	veq.f32 v9, $4.000000000e+02;
	v14 =	vtrunc.f32 v10  }
0x51: {  	[tilespmem:s5+$0x2C00] =	vst v6;
	v3 =	vmul.f32 v3, v2;
	v6 =	vsel vm12, $0x43C78000, v9;
	v9 =	vcvt.f32.s32 v14  }
0x52: {  	[tilespmem:s5+$0x3400] =	vst v4;
	vm13 =	veq.s32 v8, $0x18F;
	v4 =	vmul.f32 v5, v12;
	v12 =	vtrunc.f32 v6  }
0x53: {  	[tilespmem:s0+$0x4400] =	vst v13;
	v14 =	vadd.s32 $0x190, v11;
	v12 =	vcvt.f32.s32 v12;
	v13 =	vcvt.s32.f32 v9  }
0x54: {  	v15 =	vadd.s32 $0x1, v8;
	v2 =	vmul.f32 v5, v2;
	[tilespmem:s0+$0x4800] =	vst v3;
	v14 =	vsel vm1, $0x0, v14  }
0x55: {  	[tilespmem:s0+$0x3C00] =	vst v4;
	v3 =	vadd.s32 v1, v14;
	v4 =	vsub.f32 v10, v13;
	v5 =	vcvt.s32.f32 v12  }
0x56: {  	[tilespmem:s0+$0x4000] =	vst v2;
	v1 =	vadd.s32 v1, v11;
	v11 =	vadd.s32 v8, v3;
	v10 =	vsel vm13, $0x0, v15  }
0x57: {  	[tilespmem:s0+$0x3000] =	vst v11;
	v2 =	vadd.s32 v10, v3;
	v3 =	vsub.f32 v6, v5;
	v5 =	vsub.f32 $1.000000000e+00, v4  }
0x58: {  	v6 =	vadd.s32 v8, v1;
	v1 =	vadd.s32 v1, v10;
	[tilespmem:s0+$0x3800] =	vst v2  }
0x59: {  	v2 =	vmul.u32 $0x190, v9;
	[tilespmem:s0+$0x2C00] =	vst v6;
	v6 =	vsub.f32 $1.000000000e+00, v3;
	v8 =	vmul.f32 v3, v5  }
0x5a: {  	v7 =	vmul.u32 $0x27100, v7;
	[tilespmem:s0+$0x3400] =	vst v1;
	v1 =	vmul.f32 v3, v4  }
0x5b: {  	vm14 =	veq.s32 v9, $0x18F;
	v3 =	vadd.s32 $0x190, v2;
	v5 =	vmul.f32 v6, v5;
	[tilespmem:s10+$0x4400] =	vst v8  }
0x5c: {  	v3 =	vsel vm14, $0x0, v3;
	v4 =	vmul.f32 v6, v4;
	[tilespmem:s10+$0x4800] =	vst v1  }
0x5d: {  	vm15 =	veq.s32 v12, $0x18F;
	v1 =	vadd.s32 $0x1, v12;
	v3 =	vadd.s32 v7, v3;
	[tilespmem:s10+$0x3C00] =	vst v5  }
0x5e: {  	v1 =	vsel vm15, $0x0, v1;
	v5 =	vadd.s32 v12, v3;
	[tilespmem:s10+$0x4000] =	vst v4  }
0x5f: {  	v2 =	vadd.s32 v7, v2;
	v3 =	vadd.s32 v1, v3;
	[tilespmem:s10+$0x3000] =	vst v5  }
0x60: {  	v4 =	vadd.s32 v12, v2;
	[tilespmem:s10+$0x3800] =	vst v3  }
0x61: {  	v1 =	vadd.s32 v2, v1;
	[tilespmem:s10+$0x2C00] =	vst v4  }
0x62: {  	[tilespmem:s10+$0x3400] =	vst v1  }
0x63: {  	[tilespmem:s16], [sflag:$0x1] =	stream.indirect.gather [hbm4b:s7+s11], $0x10, s15, s11, $0xb8;
	[tilespmem:$0x16C00] =	vst v63  }
0x64: {  	_ = 	snop  }
0x65: {  	[tilespmem:s18], [sflag:$0x1] =	stream.indirect.gather [hbm4b:s7+s11], $0x10, s17, s11, $0xb8;
	[tilespmem:$0x16C00] =	vst v63  }
0x66: {  	_ = 	snop  }
0x67: {  	[tilespmem:s20], [sflag:$0x1] =	stream.indirect.gather [hbm4b:s7+s11], $0x10, s19, s11, $0xb8;
	[tilespmem:$0x16C00] =	vst v63  }
0x68: {  	_ = 	snop  }
0x69: {  	[tilespmem:s22], [sflag:$0x1] =	stream.indirect.gather [hbm4b:s7+s11], $0x10, s21, s11, $0xb8;
	[tilespmem:$0x16C00] =	vst v63  }
0x6a: {  	_ =	swait.ge [sflag:s14], $0x4000  }
0x6b: {  	[sflag:s14] =	ssyncset.done $0x0  }
0x6c: {  	[sflag:s14] =	ssyncadd.s32 $0xFFFFC000  }
0x6d: {  	_ =	swait.ge [sflag:s14], $0x4000  }
0x6e: {  	[sflag:s14] =	ssyncset.done $0x0  }
0x6f: {  	[sflag:s14] =	ssyncadd.s32 $0xFFFFC000  }
0x70: {  	_ =	swait.ge [sflag:s14], $0x4000  }
0x71: {  	[sflag:s14] =	ssyncset.done $0x0  }
0x72: {  	[sflag:s14] =	ssyncadd.s32 $0xFFFFC000  }
0x73: {  	s5 =	simm.s32 $0x0;
	_ =	swait.ge [sflag:s14], $0x4000  }
0x74: {  	v5 =	vor.u32 s5, v0;
	[sflag:s14] =	ssyncset.done $0x0  }
0x75: {  	s29 =	simm.s32 $0x3C00;
	v17 =	vshll.u32 v5, $0x4;
	[sflag:s14] =	ssyncadd.s32 $0xFFFFC000  }
0x76: {  	s30 =	simm.s32 $0x4000;
	v21 =	vor.u32 $0x4, v17;
	v4 =	vld [tilespmem:s29+$0x0]  }
0x77: {  	s10 =	simm.s32 $0x4800;
	v19 =	vor.u32 $0x3, v17;
	v2 =	vld [tilespmem:s30+$0x0]  }
0x78: {  	s31 =	simm.s32 $0x4400;
	v18 =	vor.u32 $0x1, v17;
	v1 =	vld [tilespmem:s10+$0x0]  }
0x79: {  	v9 =	vor.u32 $0xB, v17;
	v3 =	vld [tilespmem:s31+$0x0]  }
0x7a: {  	v8 =	vld.idx.msk [tilespmem:v17+s22+$0x0], $0xffff  }
0x7b: {  	v16 =	vld.idx.msk [tilespmem:v21+s22+$0x0], $0xffff  }
0x7c: {  	v6 =	vor.u32 $0x6, v17;
	v11 =	vld.idx.msk [tilespmem:v19+s22+$0x0], $0xffff  }
0x7d: {  	v20 =	vld.idx.msk [tilespmem:v18+s22+$0x0], $0xffff  }
0x7e: {  	v13 =	vor.u32 $0x7, v17;
	v7 =	vld.idx.msk [tilespmem:v9+s20+$0x0], $0xffff  }
0x7f: {  	v10 =	vor.u32 $0x8, v17;
	v12 =	vld.idx.msk [tilespmem:v18+s20+$0x0], $0xffff  }
0x80: {  	v27 =	vld.idx.msk [tilespmem:v19+s20+$0x0], $0xffff  }
0x81: {  	v24 =	vld.idx.msk [tilespmem:v6+s22+$0x0], $0xffff  }
0x82: {  	v14 =	vld.idx.msk [tilespmem:v17+s20+$0x0], $0xffff  }
0x83: {  	v26 =	vld.idx.msk [tilespmem:v13+s16+$0x0], $0xffff  }
0x84: {  	v28 =	vld.idx.msk [tilespmem:v10+s20+$0x0], $0xffff  }
0x85: {  	v32 =	vld.idx.msk [tilespmem:v10+s22+$0x0], $0xffff  }
0x86: {  	v22 =	vor.u32 $0x2, v17;
	v25 =	vld.idx.msk [tilespmem:v6+s20+$0x0], $0xffff  }
0x87: {  	v39 =	vld.idx.msk [tilespmem:v13+s18+$0x0], $0xffff  }
0x88: {  	v34 =	vld.idx.msk [tilespmem:v10+s18+$0x0], $0xffff  }
0x89: {  	v35 =	vld.idx.msk [tilespmem:v6+s16+$0x0], $0xffff  }
0x8a: {  	v36 =	vld.idx.msk [tilespmem:v6+s18+$0x0], $0xffff  }
0x8b: {  	v41 =	vld.idx.msk [tilespmem:v22+s22+$0x0], $0xffff  }
0x8c: {  	v23 =	vld.idx.msk [tilespmem:v10+s16+$0x0], $0xffff  }
0x8d: {  	v30 =	vor.u32 $0x5, v17;
	v29 =	vld.idx.msk [tilespmem:v18+s18+$0x0], $0xffff  }
0x8e: {  	v40 =	vld.idx.msk [tilespmem:v22+s20+$0x0], $0xffff;
	v10 =	vmul.f32 v7, v3  }
0x8f: {  	v5 =	vshll.u32 v5, $0x3;
	v37 =	vld.idx.msk [tilespmem:v22+s16+$0x0], $0xffff;
	v12 =	vmul.f32 v12, v3;
	v15 =	vmul.f32 v14, v3  }
0x90: {  	v6 =	vor.u32 $0xA, v17;
	v31 =	vld.idx.msk [tilespmem:v21+s20+$0x0], $0xffff;
	v14 =	vmul.f32 v8, v1;
	v33 =	vmul.f32 v25, v3  }
0x91: {  	v38 =	vld.idx.msk [tilespmem:v22+s18+$0x0], $0xffff;
	v36 =	vmul.f32 v36, v2;
	v22 =	vmul.f32 v41, v1;
	v8 =	vor.u32 $0x1, v5  }
0x92: {  	s0 =	simm.s32 $0x10;
	s5 =	simm.s32 $0x4810;
	v7 =	vor.u32 $0x9, v17;
	v25 =	vmul.f32 v39, v2;
	v39 =	vld.idx.msk [tilespmem:v30+s22+$0x0], $0xffff;
	v32 =	vmul.f32 v32, v1  }
.LBB2_5:
0x93: {  	v41 =	vld.idx.msk [tilespmem:v30+s20+$0x0], $0xffff;
	v42 =	vmul.f32 v23, v4;
	s29 =	sadd.s32 $0x10, s29;
	s30 =	sadd.s32 $0x10, s30;
	s31 =	sadd.s32 $0x10, s31  }
0x94: {  	p0 =	sne.s32 s0, $0x3F0;
	v40 =	vmul.f32 v40, v3;
	v23 =	vor.u32 $0x2, v5;
	s10 =	smov.u32 s0;
	s0 =	sadd.s32 $0x10, s0;
	v43 =	vld.idx.msk [tilespmem:v30+s18+$0x0], $0xffff  }
0x95: {  	v35 =	vmul.f32 v35, v4;
	v37 =	vmul.f32 v37, v4;
	v30 =	vld.idx.msk [tilespmem:v30+s16+$0x0], $0xffff  }
0x96: {  	v34 =	vmul.f32 v34, v2;
	v44 =	vld.idx.msk [tilespmem:v8+s13+$0x0], $0xffff  }
0x97: {  	v27 =	vmul.f32 v27, v3;
	v35 =	vadd.f32 v36, v35;
	v38 =	vmul.f32 v38, v2;
	v45 =	vld.idx.msk [tilespmem:v21+s18+$0x0], $0xffff  }
0x98: {  	v28 =	vmul.f32 v28, v3;
	v39 =	vmul.f32 v39, v1;
	v36 =	vld.idx.msk [tilespmem:v19+s16+$0x0], $0xffff  }
0x99: {  	v34 =	vadd.f32 v34, v42;
	v41 =	vmul.f32 v41, v3;
	v46 =	vld.idx.msk [tilespmem:v17+s16+$0x0], $0xffff  }
0x9a: {  	v26 =	vmul.f32 v26, v4;
	v33 =	vadd.f32 v33, v35;
	v42 =	vmul.f32 v43, v2;
	v21 =	vld.idx.msk [tilespmem:v21+s16+$0x0], $0xffff  }
0x9b: {  	v30 =	vmul.f32 v30, v4;
	v19 =	vld.idx.msk [tilespmem:v19+s18+$0x0], $0xffff  }
0x9c: {  	v24 =	vmul.f32 v24, v1;
	v28 =	vadd.f32 v28, v34;
	v17 =	vld.idx.msk [tilespmem:v17+s18+$0x0], $0xffff  }
0x9d: {  	v29 =	vmul.f32 v29, v2;
	v34 =	vmul.f32 v45, v2;
	v30 =	vadd.f32 v42, v30;
	v18 =	vld.idx.msk [tilespmem:v18+s16+$0x0], $0xffff  }
0x9e: {  	v31 =	vmul.f32 v31, v3;
	v24 =	vadd.f32 v24, v33;
	v28 =	vadd.f32 v32, v28;
	v33 =	vld.idx.msk [tilespmem:v13+s20+$0x0], $0xffff  }
0x9f: {  	v20 =	vmul.f32 v20, v1;
	v32 =	vadd.f32 v38, v37;
	v35 =	vld.idx.msk [tilespmem:v9+s18+$0x0], $0xffff  }
0xa0: {  	v37 =	vmul.f32 v46, v4;
	v30 =	vadd.f32 v41, v30;
	v21 =	vmul.f32 v21, v4;
	v38 =	vld.idx.msk [tilespmem:v9+s16+$0x0], $0xffff  }
0xa1: {  	v16 =	vmul.f32 v16, v1;
	v41 =	vld.idx.msk [tilespmem:v5+s13+$0x0], $0xffff  }
0xa2: {  	v32 =	vadd.f32 v40, v32;
	v36 =	vmul.f32 v36, v4;
	v21 =	vadd.f32 v34, v21;
	v13 =	vld.idx.msk [tilespmem:v13+s22+$0x0], $0xffff  }
0xa3: {  	v19 =	vmul.f32 v19, v2;
	v30 =	vadd.f32 v39, v30;
	v17 =	vmul.f32 v17, v2;
	v34 =	vld.idx.msk [tilespmem:v6+s18+$0x0], $0xffff  }
0xa4: {  	v11 =	vmul.f32 v11, v1;
	v25 =	vadd.f32 v25, v26;
	v18 =	vmul.f32 v18, v4;
	v26 =	vld.idx.msk [tilespmem:v7+s18+$0x0], $0xffff  }
0xa5: {  	v17 =	vadd.f32 v17, v37;
	v21 =	vadd.f32 v31, v21;
	v31 =	vmul.f32 v33, v3;
	v33 =	vld.idx.msk [tilespmem:v7+s16+$0x0], $0xffff  }
0xa6: {  	v22 =	vadd.f32 v22, v32;
	v18 =	vadd.f32 v29, v18;
	v32 =	vmul.f32 v35, v2;
	v29 =	vld.idx.msk [tilespmem:v6+s16+$0x0], $0xffff  }
0xa7: {  	v19 =	vadd.f32 v19, v36;
	v16 =	vadd.f32 v16, v21;
	v35 =	vmul.f32 v38, v4;
	v21 =	vld.idx.msk [tilespmem:v7+s20+$0x0], $0xffff  }
0xa8: {  	v15 =	vadd.f32 v15, v17;
	v17 =	vadd.f32 v31, v25;
	v13 =	vmul.f32 v13, v1;
	v9 =	vld.idx.msk [tilespmem:v9+s22+$0x0], $0xffff  }
0xa9: {  	v25 =	vmul.f32 v44, v30;
	v12 =	vadd.f32 v12, v18;
	v18 =	vadd.f32 v27, v19;
	v19 =	vld.idx.msk [tilespmem:v23+s13+$0x0], $0xffff  }
0xaa: {  	v14 =	vadd.f32 v14, v15;
	v15 =	vmul.f32 v34, v2;
	v13 =	vadd.f32 v13, v17;
	v17 =	vld.idx.msk [tilespmem:v6+s20+$0x0], $0xffff  }
0xab: {  	v16 =	vmul.f32 v44, v16;
	v12 =	vadd.f32 v20, v12;
	v11 =	vadd.f32 v11, v18  }
0xac: {  	v20 =	vadd.f32 v32, v35;
	v14 =	vmul.f32 v41, v14;
	v18 =	vmul.f32 v33, v4  }
0xad: {  	v11 =	vmul.f32 v44, v11;
	v4 =	vmul.f32 v29, v4  }
0xae: {  	v10 =	vadd.f32 v10, v20;
	v21 =	vmul.f32 v21, v3;
	v9 =	vmul.f32 v9, v1;
	v7 =	vld.idx.msk [tilespmem:v7+s22+$0x0], $0xffff  }
0xaf: {  	v20 =	vmul.f32 v41, v22;
	v11 =	vadd.f32 v11, v14;
	v14 =	vmul.f32 v19, v24;
	v6 =	vld.idx.msk [tilespmem:v6+s22+$0x0], $0xffff  }
0xb0: {  	v2 =	vmul.f32 v26, v2;
	v4 =	vadd.f32 v15, v4;
	v15 =	vmul.f32 v19, v28  }
0xb1: {  	v3 =	vmul.f32 v17, v3;
	v9 =	vadd.f32 v9, v10;
	v10 =	vmul.f32 v41, v12  }
0xb2: {  	v2 =	vadd.f32 v2, v18;
	v12 =	vadd.f32 v25, v20  }
0xb3: {  	v3 =	vadd.f32 v3, v4;
	v4 =	vadd.f32 v14, v11  }
0xb4: {  	v2 =	vadd.f32 v21, v2;
	v11 =	vadd.f32 v15, v12;
	v7 =	vmul.f32 v7, v1  }
0xb5: {  	v1 =	vmul.f32 v6, v1;
	v6 =	vadd.f32 v16, v10;
	v10 =	vmul.f32 v19, v13  }
0xb6: {  	v2 =	vadd.f32 v7, v2;
	v7 =	vadd.f32 v11, v9  }
0xb7: {  	v1 =	vadd.f32 v1, v3;
	v3 =	vadd.f32 v10, v6  }
0xb8: {  	v2 =	vadd.f32 v4, v2  }
0xb9: {  	v1 =	vadd.f32 v3, v1  }
0xba: {  	[tilespmem:v5+s23+$0x0] =	vst.idx.msk $0xffff, v2  }
0xbb: {  	[tilespmem:v8+s23+$0x0] =	vst.idx.msk $0xffff, v1  }
0xbc: {  	v5 =	vor.u32 s10, v0;
	[tilespmem:v23+s23+$0x0] =	vst.idx.msk $0xffff, v7  }
0xbd: {  	v17 =	vshll.u32 v5, $0x4  }
0xbe: {  	v18 =	vor.u32 $0x1, v17;
	v19 =	vor.u32 $0x3, v17;
	v21 =	vor.u32 $0x4, v17;
	v4 =	vld [tilespmem:s29+$0x0]  }
0xbf: {  	v8 =	vor.u32 $0x2, v17;
	v30 =	vor.u32 $0x5, v17;
	v22 =	vor.u32 $0x6, v17;
	v2 =	vld [tilespmem:s30+$0x0]  }
0xc0: {  	v13 =	vor.u32 $0x7, v17;
	v23 =	vor.u32 $0x8, v17;
	v7 =	vor.u32 $0x9, v17;
	v1 =	vld [tilespmem:s5+$0x0]  }
0xc1: {  	v6 =	vor.u32 $0xA, v17;
	v9 =	vor.u32 $0xB, v17;
	v3 =	vld [tilespmem:s31+$0x0]  }
0xc2: {  	v14 =	vld.idx.msk [tilespmem:v17+s22+$0x0], $0xffff  }
0xc3: {  	v16 =	vld.idx.msk [tilespmem:v21+s22+$0x0], $0xffff  }
0xc4: {  	v11 =	vld.idx.msk [tilespmem:v19+s22+$0x0], $0xffff  }
0xc5: {  	v20 =	vld.idx.msk [tilespmem:v18+s22+$0x0], $0xffff  }
0xc6: {  	v10 =	vld.idx.msk [tilespmem:v9+s20+$0x0], $0xffff  }
0xc7: {  	v12 =	vld.idx.msk [tilespmem:v18+s20+$0x0], $0xffff  }
0xc8: {  	v27 =	vld.idx.msk [tilespmem:v19+s20+$0x0], $0xffff  }
0xc9: {  	v24 =	vld.idx.msk [tilespmem:v22+s22+$0x0], $0xffff  }
0xca: {  	v15 =	vld.idx.msk [tilespmem:v17+s20+$0x0], $0xffff  }
0xcb: {  	v26 =	vld.idx.msk [tilespmem:v13+s16+$0x0], $0xffff  }
0xcc: {  	v10 =	vmul.f32 v10, v3;
	v28 =	vld.idx.msk [tilespmem:v23+s20+$0x0], $0xffff  }
0xcd: {  	v12 =	vmul.f32 v12, v3;
	v32 =	vld.idx.msk [tilespmem:v23+s22+$0x0], $0xffff  }
0xce: {  	v25 =	vld.idx.msk [tilespmem:v22+s20+$0x0], $0xffff  }
0xcf: {  	v39 =	vld.idx.msk [tilespmem:v13+s18+$0x0], $0xffff  }
0xd0: {  	v15 =	vmul.f32 v15, v3;
	v34 =	vld.idx.msk [tilespmem:v23+s18+$0x0], $0xffff  }
0xd1: {  	v5 =	vshll.u32 v5, $0x3;
	v14 =	vmul.f32 v14, v1;
	v35 =	vld.idx.msk [tilespmem:v22+s16+$0x0], $0xffff  }
0xd2: {  	v22 =	vld.idx.msk [tilespmem:v22+s18+$0x0], $0xffff  }
0xd3: {  	v41 =	vld.idx.msk [tilespmem:v8+s22+$0x0], $0xffff  }
0xd4: {  	v33 =	vmul.f32 v25, v3;
	v23 =	vld.idx.msk [tilespmem:v23+s16+$0x0], $0xffff  }
0xd5: {  	v29 =	vld.idx.msk [tilespmem:v18+s18+$0x0], $0xffff  }
.Ltmp1:
0xd6: {  	v40 =	vld.idx.msk [tilespmem:v8+s20+$0x0], $0xffff;
	(pc) =	sbr.rel @p0 .LBB2_5-.Ltmp1, $4  }
0xd7: {  	v37 =	vld.idx.msk [tilespmem:v8+s16+$0x0], $0xffff  }
0xd8: {  	v36 =	vmul.f32 v22, v2;
	v31 =	vld.idx.msk [tilespmem:v21+s20+$0x0], $0xffff  }
0xd9: {  	v25 =	vmul.f32 v39, v2;
	v22 =	vmul.f32 v41, v1;
	v38 =	vld.idx.msk [tilespmem:v8+s18+$0x0], $0xffff;
	v8 =	vor.u32 $0x1, v5  }
0xda: {  	s5 =	sadd.s32 $0x10, s5;
	v32 =	vmul.f32 v32, v1;
	v39 =	vld.idx.msk [tilespmem:v30+s22+$0x0], $0xffff  }
0xdb: {  	_ =	sdelay $0x3  }
0xdc: {  	v41 =	vld.idx.msk [tilespmem:v30+s20+$0x0], $0xffff  }
0xdd: {  	v42 =	vld.idx.msk [tilespmem:v30+s18+$0x0], $0xffff  }
0xde: {  	v60 =	vld.idx.msk [tilespmem:v30+s16+$0x0], $0xffff  }
0xdf: {  	v44 =	vld.idx.msk [tilespmem:v21+s18+$0x0], $0xffff  }
0xe0: {  	v46 =	vld.idx.msk [tilespmem:v19+s16+$0x0], $0xffff  }
0xe1: {  	v23 =	vmul.f32 v23, v4;
	v40 =	vmul.f32 v40, v3;
	v62 =	vld.idx.msk [tilespmem:v17+s16+$0x0], $0xffff  }
0xe2: {  	v35 =	vmul.f32 v35, v4;
	v34 =	vmul.f32 v34, v2;
	v63 =	vld.idx.msk [tilespmem:v21+s16+$0x0], $0xffff  }
0xe3: {  	v27 =	vmul.f32 v27, v3;
	v28 =	vmul.f32 v28, v3;
	v47 =	vld.idx.msk [tilespmem:v19+s18+$0x0], $0xffff  }
0xe4: {  	v26 =	vmul.f32 v26, v4;
	v48 =	vld.idx.msk [tilespmem:v17+s18+$0x0], $0xffff;
	v24 =	vmul.f32 v24, v1  }
0xe5: {  	v18 =	vld.idx.msk [tilespmem:v18+s16+$0x0], $0xffff;
	v49 =	vmul.f32 v29, v2;
	v20 =	vmul.f32 v20, v1  }
0xe6: {  	v45 =	vor.u32 $0x2, v5;
	v51 =	vld.idx.msk [tilespmem:v13+s20+$0x0], $0xffff;
	v16 =	vmul.f32 v16, v1;
	v11 =	vmul.f32 v11, v1  }
0xe7: {  	v53 =	vld.idx.msk [tilespmem:v9+s18+$0x0], $0xffff;
	v37 =	vmul.f32 v37, v4;
	v35 =	vadd.f32 v36, v35;
	v31 =	vmul.f32 v31, v3  }
0xe8: {  	v55 =	vld.idx.msk [tilespmem:v9+s16+$0x0], $0xffff;
	v23 =	vadd.f32 v34, v23;
	v38 =	vmul.f32 v38, v2;
	v61 =	vmul.f32 v39, v1  }
0xe9: {  	v57 =	vld.idx.msk [tilespmem:v13+s22+$0x0], $0xffff;
	v25 =	vadd.f32 v25, v26;
	v41 =	vmul.f32 v41, v3;
	v42 =	vmul.f32 v42, v2  }
0xea: {  	v59 =	vld.idx.msk [tilespmem:v6+s18+$0x0], $0xffff;
	v33 =	vadd.f32 v33, v35;
	v30 =	vmul.f32 v60, v4;
	v50 =	vmul.f32 v44, v2  }
0xeb: {  	v36 =	vld.idx.msk [tilespmem:v6+s16+$0x0], $0xffff;
	v23 =	vadd.f32 v28, v23;
	v21 =	vmul.f32 v63, v4;
	v54 =	vmul.f32 v62, v4  }
0xec: {  	v52 =	vadd.f32 v38, v37;
	v56 =	vmul.f32 v46, v4;
	v17 =	vmul.f32 v48, v2;
	v60 =	vld.idx.msk [tilespmem:v7+s18+$0x0], $0xffff  }
0xed: {  	v19 =	vmul.f32 v47, v2;
	v62 =	vld.idx.msk [tilespmem:v7+s16+$0x0], $0xffff;
	v24 =	vadd.f32 v24, v33;
	v23 =	vadd.f32 v32, v23  }
0xee: {  	v18 =	vmul.f32 v18, v4;
	v47 =	vld.idx.msk [tilespmem:v45+s13+$0x0], $0xffff;
	v30 =	vadd.f32 v42, v30;
	v32 =	vadd.f32 v40, v52  }
0xef: {  	v63 =	vmul.f32 v53, v2;
	v53 =	vld.idx.msk [tilespmem:v7+s22+$0x0], $0xffff;
	v21 =	vadd.f32 v50, v21;
	v17 =	vadd.f32 v17, v54  }
0xf0: {  	v38 =	vld.idx.msk [tilespmem:v5+s13+$0x0], $0xffff;
	v39 =	vmul.f32 v55, v4;
	v18 =	vadd.f32 v49, v18;
	v19 =	vadd.f32 v19, v56  }
0xf1: {  	v13 =	vmul.f32 v57, v1;
	v40 =	vld.idx.msk [tilespmem:v7+s20+$0x0], $0xffff;
	v30 =	vadd.f32 v41, v30;
	v21 =	vadd.f32 v31, v21  }
0xf2: {  	v48 =	vmul.f32 v59, v2;
	v42 =	vld.idx.msk [tilespmem:v9+s22+$0x0], $0xffff;
	v22 =	vadd.f32 v22, v32;
	v15 =	vadd.f32 v15, v17  }
0xf3: {  	v49 =	vld.idx.msk [tilespmem:v6+s20+$0x0], $0xffff;
	v12 =	vadd.f32 v12, v18;
	v50 =	vmul.f32 v62, v4;
	v2 =	vmul.f32 v60, v2  }
0xf4: {  	v43 =	vld.idx.msk [tilespmem:v8+s13+$0x0], $0xffff;
	v44 =	vadd.f32 v27, v19;
	v55 =	vmul.f32 v47, v24;
	v59 =	vmul.f32 v53, v1  }
0xf5: {  	v58 =	vadd.f32 v61, v30;
	v61 =	vmul.f32 v51, v3;
	v16 =	vadd.f32 v16, v21  }
0xf6: {  	v14 =	vadd.f32 v14, v15;
	v11 =	vadd.f32 v11, v44;
	v51 =	vmul.f32 v36, v4  }
0xf7: {  	v21 =	vadd.f32 v63, v39;
	v56 =	vmul.f32 v38, v22;
	v52 =	vmul.f32 v40, v3  }
0xf8: {  	v54 =	vld.idx.msk [tilespmem:v6+s22+$0x0], $0xffff;
	v12 =	vadd.f32 v20, v12;
	v9 =	vmul.f32 v42, v1;
	v3 =	vmul.f32 v49, v3  }
0xf9: {  	v2 =	vadd.f32 v2, v50;
	v41 =	vadd.f32 v61, v25;
	v46 =	vmul.f32 v43, v58  }
0xfa: {  	v14 =	vmul.f32 v38, v14;
	v11 =	vmul.f32 v43, v11;
	v10 =	vadd.f32 v10, v21  }
0xfb: {  	v16 =	vmul.f32 v43, v16;
	v4 =	vadd.f32 v48, v51;
	v2 =	vadd.f32 v52, v2  }
0xfc: {  	v57 =	vmul.f32 v38, v12;
	v13 =	vadd.f32 v13, v41;
	v11 =	vadd.f32 v11, v14  }
0xfd: {  	v1 =	vmul.f32 v54, v1;
	v9 =	vadd.f32 v9, v10;
	v58 =	vadd.f32 v46, v56  }
0xfe: {  	v3 =	vadd.f32 v3, v4;
	v60 =	vadd.f32 v16, v57;
	v61 =	vmul.f32 v47, v13  }
0xff: {  	v62 =	vmul.f32 v47, v23;
	v2 =	vadd.f32 v59, v2;
	v11 =	vadd.f32 v55, v11  }
0x100: {  	v1 =	vadd.f32 v1, v3;
	v3 =	vadd.f32 v61, v60  }
0x101: {  	v63 =	vadd.f32 v62, v58;
	v2 =	vadd.f32 v11, v2  }
0x102: {  	v1 =	vadd.f32 v3, v1  }
0x103: {  	s26 =	sadd.s32 $0x1, s26;
	v3 =	vadd.f32 v63, v9;
	[tilespmem:v5+s23+$0x0] =	vst.idx.msk $0xffff, v2  }
0x104: {  	p0 =	sne.s32 s26, $0x20;
	[tilespmem:v8+s23+$0x0] =	vst.idx.msk $0xffff, v1  }
.Ltmp2:
0x105: {  	s0 =	sadd.s32 s8, s28;
	[tilespmem:v45+s23+$0x0] =	vst.idx.msk $0xffff, v3;
	(pc) =	sbr.rel @p0 .LBB2_2-.Ltmp2, $4  }
0x106: {  	[hbm4b:s0+s4] =	stream.linear.scatter [tilespmem:s23], [sflag:$0x2], $0x2000, $0x38;
	[tilespmem:$0x16C00] =	vst v63  }
0x107: {  	_ =	swait.ge [sflag:s24], $0x2000  }
0x108: {  	[sflag:s24] =	ssyncset.done $0x0  }
0x109: {  	[sflag:s24] =	ssyncadd.s32 $0xFFFFE000  }
0x10a: {  	s25 =	sadd.s32 $0x1, s25;
	s0 =	rddreg [dreg:$0x5]  }
0x10b: {  	p0 =	sne.s32 s25, s0  }
.Ltmp3:
0x10c: {  	_ = 	snop;
	(pc) =	sbr.rel @p0 .LBB2_1-.Ltmp3, $1  }
0x10d: {  	_ =	sdelay $0x3  }
0x10e: {  	_ =	sfence.sel $0x180000  }
0x10f: {  	[bflag:$0x0] =	sbarrier.arrive $0xFFFF  }
0x110: {  	_ =	strace $0x9000004D  }
0x111: {  	s0 =	stileid.u32;
	[bflag:$0x2] =	sbarrier.arrive $0xFFFF  }
0x112: {  	p0 =	sne.s32 s0, $0x0;
	s0 =	rddreg [dreg:$0x4]  }
0x113: {  	s0 =	sadd.s32 @!p0 $0x100000, s0  }
0x114: {  	[sflag:s0] =	ssyncadd.tile.s32 @!p0 $0x1;
	_ =	shalt  }
.Lfunc_end2:
_tile_overlayer_lowered:
.L_overlay_start_2:
0x115: {  	(tag) =	ssettag $0x2  }
0x116: {  	s0 =	rddreg [dreg:$0x0];
	s2 =	stileid.u32  }
0x117: {  	s1 =	rddreg [dreg:$0x1];
	p0 =	sne.s32 s2, $0x0  }
0x118: {  	s3 =	rddreg [dreg:$0x2];
	[bflag:$0x3] =	sbarrier.arrive $0xFFFF;
	s2 =	simm.s32 @!p0 $0x1C02  }
0x119: {  	[timem:s3], [sflag:s2] =	dma.local @!p0 [hbm:s0], s1  }
0x11a: {  	s0 =	simm.s32 @!p0 $0x2  }
0x11b: {  	_ =	swait.ge @!p0 [sflag:s0], s1  }
0x11c: {  	s1 =	ssub.s32 @!p0 $0x0, s1;
	[sflag:s0] =	ssyncset.done @!p0 $0x0  }
0x11d: {  	[sflag:s0] =	ssyncadd.s32 @!p0 s1  }
0x11e: {  	[bflag:$0x3] =	sbarrier.arrive $0xFFFF  }
0x11f: {  	_ =	shalt  }

// kernel: sparse-core-data-format-call.1.cloned.1.call-start
scs
called_computation.1_lowered:
.L_overlay_start_0:
0x0: {  	s1 =	sld [smem:$0x3FD9]  }
0x1: {  	s2 =	sld [smem:$0x3FFE];
	_ =	sdelay $0x1  }
0x2: {  	s3 =	srdreg.scid  }
0x3: {  	s0 =	sand.u32 $0x1, s3  }
0x4: {  	s17 =	sshll.u32 s0, $0xA;
	s1 =	sadd.s32 s2, s1  }
0x5: {  	s1 =	sadd.s32 s1, s17  }
0x6: {  	[smem:$0x3FC2] =	sst s1  }
0x7: {  	_ = 	snop  }
0x8: {  	(tm) =	ssettm $0x1  }
0x9: {  	s18 =	sld [smem:$0x3FFB];
	_ =	sdelay $0x3  }
0xa: {  	_ =	strace s18  }
0xb: {  	s1 =	sld [smem:$0x3FFC];
	_ =	sdelay $0x3  }
0xc: {  	_ =	strace s1  }
0xd: {  	s1 =	sld [smem:$0x3FFD];
	_ =	sdelay $0x3  }
0xe: {  	_ =	strace s1  }
0xf: {  	_ =	strace $0x8FFFFFFF  }
0x10: {  	s19 =	sld [smem:$0x3FDB];
	_ =	sdelay $0x1  }
0x11: {  	s20 =	simm.s32 $_scs_section_size  }
0x12: {  	s4 =	simm.s32 $_size__tile_overlayer_lowered;
	s5 =	simm.s32 $_tile_overlayer_lowered  }
0x13: {  	s23 =	simm.s32 $0x1BFF;
	s22 =	sshll.u32 s5, $0x1;
	s1 =	sadd.s32 s20, s19  }
0x14: {  	s6 =	simm.s32 $0x0;
	s21 =	sshll.u32 s4, $0x1;
	s4 =	sadd.s32 s22, s1  }
0x15: {  	[timem:s6], [sflag:s23] =	dma.local [hbm:s4], s21  }
0x16: {  	_ =	swait.ge [sflag:s23], s21  }
0x17: {  	s2 =	ssub.s32 $0x0, s21;
	[sflag:s23] =	ssyncset.done $0x0  }
0x18: {  	[sflag:s23] =	ssyncadd.s32 s2;
	_ =	sdelay $0x1  }
0x19: {  	s24 =	simm.s32 $0x1B8B  }
0x1a: {  	_ =	swait.ge [sflag:s24], $0x1  }
0x1b: {  	[sflag:s24] =	ssyncset.done $0x0  }
0x1c: {  	s26 =	simm.s32 $0x1B8E;
	s25 =	sld [smem:$0x3FFE];
	[sflag:s24] =	ssyncadd.s32 $0xFFFFFFFF  }
0x1d: {  	s27 =	simm.s32 $execute0_lowered;
	[smem:$0x3FD2] =	sst s26  }
0x1e: {  	s4 =	sshll.u32 s27, $0x1;
	_ =	strace $0x80000046;
	[dreg:$0x1] =	wrdreg $0xFFFFFFFF  }
0x1f: {  	s28 =	simm.s32 $_size_execute0_lowered;
	s1 =	sadd.s32 s1, s4;
	[dreg:$0x0] =	wrdreg $0x0  }
0x20: {  	s4 =	sshll.u32 s28, $0x1;
	[dreg:$0x2] =	wrdreg s1  }
0x21: {  	[dreg:$0x3] =	wrdreg s4  }
0x22: {  	[dreg:$0x4] =	wrdreg $0xC0  }
0x23: {  	_ =	task [dreg:s6], $0x5FFFF  }
0x24: {  	[dreg:$0x1] =	wrdreg $0xFFFFFFFF  }
0x25: {  	[dreg:$0x0] =	wrdreg $0x60  }
0x26: {  	[dreg:$0x2] =	wrdreg s25  }
0x27: {  	[dreg:$0x3] =	wrdreg $0x9  }
0x28: {  	_ =	task.clear_ibuf [dreg:s6], $0x4FFFF;
	_ =	strace $0x90000046  }
0x29: {  	s29 =	simm.s32 $0x9;
	_ =	strace $0x80000048  }
0x2a: {  	_ =	swait.ge [sflag:s29], $0x1  }
0x2b: {  	[sflag:s29] =	ssyncadd.s32 $0xFFFFFFFF  }
0x2c: {  	_ =	strace $0x90000048  }
0x2d: {  	_ =	sfence  }
0x2e: {  	s30 =	sld [smem:$0x0];
	_ =	sdelay $0x2  }
0x2f: {  	s31 =	sshll.u32 s3, $0xD;
	s3 =	sshrl.u32 s3, $0x2  }
0x30: {  	s2 =	sand.u32 $0x4000, s31;
	s1 =	sadd.s32 s3, s30  }
0x31: {  	s0 =	sor.u32 s2, s0;
	s1 =	sshll.u32 s1, $0x11  }
0x32: {  	s0 =	sor.u32 s1, s0  }
0x33: {  	s0 =	sadd.s32 $0x8F2B, s0  }
0x34: {  	[sflag:s0] =	ssyncadd.remote.s32 $0x1  }
0x35: {  	_ =	sfence.sel $0xFFFF  }
0x36: {  	[dreg:$0x0] =	wrdreg $0xFFFFFFFF;
	(pc) =	sbr.abs _section_cstart, $3  }
0x37: {  	[dreg:$0x1] =	wrdreg $0xFFFFFFFF  }
0x38: {  	_ =	task.clear_ibuf [dreg:s6], $0x2FFFF;
	_ =	strace $0x9FFFFFFF  }
0x39: {  	(tm) =	ssettm $0x7FFFFFFF  }
tec
execute0_lowered:
.L_overlay_start_1:
0x0: {  	(tag) =	ssettag $0x1  }
0x1: {  	s2 =	stileid.u32;
	s0 =	srdreg.scid  }
0x2: {  	s3 =	rddreg [dreg:$0x0];
	_ =	strace $0x80000047;
	s31 =	simm.s32 $0x2  }
0x3: {  	s17 =	simm.s32 $0x0;
	s9 =	simm.s32 $0x138800;
	s10 =	simm.s32 $0x0  }
0x4: {  	s16 =	simm.s32 $0x0;
	s1 =	sshll.u32 s2, $0x7;
	s0 =	sshll.u32 s0, $0xB  }
0x5: {  	s19 =	simm.s32 $0x0;
	s18 =	simm.s32 $0x0;
	s0 =	sor.u32 s1, s0  }
0x6: {  	s12 =	simm.s32 $0x0;
	s2 =	sand.u32 $0x1, s2;
	s1 =	sand.u32 $0xF00, s0  }
0x7: {  	s13 =	simm.s32 $0x0;
	s4 =	ssub.s32 $0x2, s2;
	s0 =	ssub.s32 $0x27100, s1  }
0x8: {  	s15 =	simm.s32 $0x0;
	s6 =	sshrl.u32 s4, $0x1;
	s5 =	sand.u32 $0xF00, s0  }
0x9: {  	s4 =	sand.u32 $0x1, s4;
	p0 =	sne.s32 s5, $0x0;
	s5 =	simm.s32 $0x1  }
.Ltmp0:
0xa: {  	s0 =	sshrl.u32 s0, $0xC;
	s5 =	simm.s32 @!p0 $0x0;
	(pc) =	sbr.rel .LBB1_1-.Ltmp0, $4  }
0xb: {  	s25 =	simm.s32 $0x0;
	s6 =	sadd.s32 s4, s6;
	s0 =	sadd.s32 s5, s0  }
0xc: {  	s7 =	sadd.s32 $0x272000, s3;
	s4 =	simm.s32 $0x1;
	s5 =	smul.u32 s6, s0  }
0xd: {  	s14 =	smov.u32 s2;
	s11 =	smov.u32 s1;
	[sflag:s4] =	ssyncpa.u1 $0x0  }
0xe: {  	[sflag:s31] =	ssyncpa.u1 $0x0;
	s6 =	sadd.s32 $0x1000, s3;
	s8 =	sadd.s32 $0x1, s5  }
.LBB1_7:
0xf: {  	s0 =	sadd.s32 $0x1000, s11  }
0x10: {  	s3 =	sadd.s32 $0x8, s12;
	s20 =	smov.u32 s12;
	p1 =	sgt.s32 s0, $0x270FF  }
0x11: {  	s20 =	smov.u32 @p1 s3  }
0x12: {  	s21 =	smov.u32 s13;
	s3 =	sadd.s32 $0x8, s13;
	p2 =	sgt.s32 s20, $0x7  }
0x13: {  	s21 =	smov.u32 @p2 s3  }
0x14: {  	s22 =	smov.u32 s14;
	s3 =	sadd.s32 $0x2, s14;
	p3 =	sgt.s32 s21, $0x7  }
0x15: {  	p0 =	slt.u32 s15, $0x2;
	s22 =	smov.u32 @p3 s3  }
0x16: {  	s17 =	smov.u32 s11;
	s0 =	smov.u32 @p1 s1;
	p1 =	sgt.s32 s22, $0x1  }
0x17: {  	s16 =	smov.u32 s12;
	s22 =	smov.u32 @p1 s2;
	p1 =	sne.s32 s15, s8  }
.Ltmp1:
0x18: {  	s19 =	smov.u32 s13;
	s18 =	smov.u32 s14;
	(pc) =	sbr.rel @!p1 .LBB1_8-.Ltmp1, $4  }
0x19: {  	s10 =	sadd.s32 $0x4000, s10;
	s11 =	smov.u32 s0;
	s3 =	simm.s32 @!p0 $0x2  }
0x1a: {  	s20 =	simm.s32 @p2 $0x0;
	s21 =	simm.s32 @p3 $0x0;
	_ =	swait.ge @!p0 [sflag:s3], $0x4000  }
0x1b: {  	s12 =	smov.u32 s20;
	s13 =	smov.u32 s21;
	[sflag:s3] =	ssyncset.done @!p0 $0x0  }
0x1c: {  	s15 =	sadd.s32 $0x1, s15;
	[sflag:s3] =	ssyncadd.s32 @!p0 $0xFFFFC000;
	s14 =	smov.u32 s22  }
.LBB1_1:
0x1d: {  	p0 =	sge.u32 s15, s5  }
0x1e: {  	s0 =	sshrl.u32 @!p0 s12, $0x3  }
0x1f: {  	s3 =	sshll.u32 @!p0 s11, $0x3;
	s0 =	smul.u32 @!p0 $0x138800, s0  }
0x20: {  	s20 =	sshll.u32 @!p0 s12, $0x7;
	s3 =	sand.u32 @!p0 $0xFFFFFC00, s3  }
0x21: {  	s0 =	sadd.s32 @!p0 s0, s3;
	s3 =	sand.u32 @!p0 $0x380, s20  }
0x22: {  	s20 =	sand.u32 @!p0 $0x7F, s11;
	s0 =	sor.u32 @!p0 s3, s0  }
0x23: {  	s3 =	sor.u32 @!p0 s20, s0  }
0x24: {  	s20 =	smulhi.u32 @!p0 $0xD1B71759, s3  }
0x25: {  	s0 =	smulhi.u32 @!p0 $0xD1B71759, s0  }
0x26: {  	s31 =	sadd.s32 $0xFFFFFFFF, s15;
	s22 =	smul.u32 @!p0 $0x138800, s14;
	s20 =	sshrl.u32 @!p0 s20, $0x11  }
0x27: {  	s21 =	sxor.u32 @!p0 $0xFFFFFFFF, s15;
	s0 =	sshrl.u32 @!p0 s0, $0x11;
	s20 =	smul.u32 @!p0 $0x27100, s20  }
0x28: {  	s23 =	smul.u32 @!p0 $0x27100, s13;
	s21 =	sshll.u32 @!p0 s21, $0xE;
	s0 =	sand.u32 @!p0 $0x7, s0  }
0x29: {  	s0 =	smul.u32 @!p0 $0x4E20, s0;
	s3 =	ssub.s32 @!p0 s3, s20;
	s20 =	sadd.s32 @!p0 s6, s22  }
0x2a: {  	s21 =	sand.u32 @!p0 $0x4000, s21;
	s20 =	sadd.s32 @!p0 s23, s20;
	s22 =	sand.u32 @!p0 $0x7, s3  }
0x2b: {  	s3 =	sshrl.u32 @!p0 s3, $0x3;
	s0 =	sadd.s32 @!p0 s0, s20;
	s20 =	sshll.u32 @!p0 s22, $0x12  }
0x2c: {  	s0 =	sadd.s32 @!p0 s3, s0;
	s3 =	sor.u32 @!p0 $0x800, s20;
	s20 =	simm.s32 @!p0 $0x138800  }
0x2d: {  	[tilespmem:s21], [sflag:$0x1] =	stream.strided.gather @!p0 [hbm4b:s0+s3], $0x4000, s20, s3, $0x38;
	[tilespmem:$0x10000] =	vst v63  }
0x2e: {  	p0 =	sge.u32 s31, s5  }
.Ltmp2:
0x2f: {  	_ = 	snop;
	(pc) =	sbr.rel @p0 .LBB1_7-.Ltmp2, $1  }
0x30: {  	_ =	sdelay $0x3  }
0x31: {  	s0 =	sshll.u32 s10, $0x2;
	_ =	swait.ge [sflag:s4], $0x4000;
	s3 =	sshll.u32 s15, $0xE  }
0x32: {  	p0 =	por $0x0, $0x0;
	s26 =	simm.s32 $0x0;
	s27 =	simm.s32 $0x0  }
0x33: {  	s0 =	sand.u32 $0x10000, s0;
	[sflag:s4] =	ssyncset.done $0x0;
	s23 =	sand.u32 $0x4000, s3  }
0x34: {  	s0 =	sshrl.u32 s0, $0x2;
	[sflag:s4] =	ssyncadd.s32 $0xFFFFC000;
	s20 =	sor.u32 $0x8000, s23  }
0x35: {  	s21 =	sor.u32 $0x40, s0;
	s22 =	sor.u32 $0x8410, s0;
	s24 =	sadd.s32 $0x8400, s0  }
.LBB1_3:
0x36: {  	v1 =	vld [tilespmem:s21+$0xFFFFFFD0]  }
0x37: {  	v2 =	vld [tilespmem:s21+$0x430]  }
0x38: {  	s0 =	sshll.u32 s27, $0xB;
	v4 =	vld [tilespmem:s21+$0xFFFFFFE0]  }
0x39: {  	v7 =	vld [tilespmem:s21+$0xFFFFFFF0];
	v0 =	vmov s0  }
0x3a: {  	v8 =	vld [tilespmem:s21+$0x0]  }
0x3b: {  	v9 =	vld [tilespmem:s21+$0x10];
	s0 =	sand.u32 $0x300, s25  }
0x3c: {  	s3 =	sand.u32 $0x80, s25;
	v10 =	vld [tilespmem:s21+$0x20];
	s0 =	sadd.s32 s0, s23  }
0x3d: {  	v11 =	vld [tilespmem:s21+$0x30];
	s0 =	sadd.s32 s3, s0;
	s3 =	simm.s32 $0x1;
	[tilespmem:s22+$0x60] =	vst v2  }
0x3e: {  	s3 =	simm.s32 @!p0 $0x0;
	[tilespmem:s22+$0xFFFFFC00] =	vst v1;
	v3 =	vld.idx.msk [tilespmem:v0+s0+$0x400 ss:$0x1], $0xffff;
	s0 =	sshll.u32 s26, $0x2  }
0x3f: {  	v6 =	vld [tilespmem:s21+$0x3D0];
	s3 =	sshll.u32 s3, $0x9;
	[tilespmem:s22+$0xFFFFFC10] =	vst v4;
	s0 =	sand.u32 $0xFFFFFC00, s0  }
0x40: {  	v5 =	vld [tilespmem:s21+$0x3E0];
	[tilespmem:s22+$0xFFFFFC20] =	vst v7;
	s0 =	sor.u32 s3, s0  }
0x41: {  	[tilespmem:s22+$0xFFFFFC30] =	vst v8;
	v4 =	vld [tilespmem:s21+$0x400];
	s0 =	sshrl.u32 s0, $0x2  }
0x42: {  	[tilespmem:s22+$0xFFFFFC40] =	vst v9;
	v1 =	vld [tilespmem:s21+$0x410];
	s28 =	sadd.s32 s0, s24  }
0x43: {  	[tilespmem:s28+$0x0] =	vst v3;
	v3 =	vld [tilespmem:s21+$0x3F0]  }
0x44: {  	s31 =	simm.s32 $0x100;
	[tilespmem:s22+$0xFFFFFC50] =	vst v10;
	v2 =	vld [tilespmem:s21+$0x420];
	s3 =	simm.s32 $0x80  }
0x45: {  	s29 =	sadd.s32 $0x80, s21;
	s30 =	smov.u32 s22;
	v7 =	vld [tilespmem:s21+$0xFFFFFFC0];
	[tilespmem:s22+$0xFFFFFC60] =	vst v11;
	s0 =	sand.u32 $0x300, s3  }
.LBB1_4:
0x46: {  	p1 =	sne.s32 s31, $0x380;
	v8 =	vld [tilespmem:s29+$0xFFFFFFD0];
	s3 =	sand.u32 $0x80, s3;
	s0 =	sadd.s32 s0, s23;
	[tilespmem:s30+$0x0] =	vst v6  }
0x47: {  	s0 =	sadd.s32 s3, s0;
	v6 =	vld [tilespmem:s29+$0x430];
	[tilespmem:s30+$0x10] =	vst v5;
	s3 =	smov.u32 s31  }
0x48: {  	v5 =	vld.idx.msk [tilespmem:v0+s0+$0x400 ss:$0x1], $0xffff;
	[tilespmem:s30+$0x20] =	vst v3  }
0x49: {  	v3 =	vld [tilespmem:s29+$0xFFFFFFE0];
	[tilespmem:s30+$0x30] =	vst v4  }
0x4a: {  	v4 =	vld [tilespmem:s29+$0xFFFFFFF0];
	[tilespmem:s30+$0xFFFFFBF0] =	vst v7  }
0x4b: {  	v7 =	vld [tilespmem:s29+$0x0];
	[tilespmem:s30+$0x40] =	vst v1  }
0x4c: {  	v1 =	vld [tilespmem:s29+$0x10];
	[tilespmem:s30+$0x50] =	vst v2;
	s30 =	sadd.s32 $0x800, s30  }
0x4d: {  	s28 =	sadd.s32 $0x800, s28;
	v2 =	vld [tilespmem:s29+$0x20];
	[tilespmem:s30+$0x60] =	vst v6  }
0x4e: {  	v9 =	vld [tilespmem:s29+$0x30];
	[tilespmem:s28+$0x0] =	vst v5  }
0x4f: {  	[tilespmem:s30+$0xFFFFFC00] =	vst v8;
	v6 =	vld [tilespmem:s29+$0x3D0]  }
0x50: {  	[tilespmem:s30+$0xFFFFFC10] =	vst v3;
	v5 =	vld [tilespmem:s29+$0x3E0]  }
.Ltmp3:
0x51: {  	[tilespmem:s30+$0xFFFFFC20] =	vst v4;
	v3 =	vld [tilespmem:s29+$0x3F0];
	(pc) =	sbr.rel @p1 .LBB1_4-.Ltmp3, $4  }
0x52: {  	[tilespmem:s30+$0xFFFFFC30] =	vst v7;
	v4 =	vld [tilespmem:s29+$0x400]  }
0x53: {  	[tilespmem:s30+$0xFFFFFC40] =	vst v1;
	v1 =	vld [tilespmem:s29+$0x410]  }
0x54: {  	[tilespmem:s30+$0xFFFFFC50] =	vst v2;
	v2 =	vld [tilespmem:s29+$0x420]  }
0x55: {  	s31 =	sadd.s32 $0x80, s31;
	s0 =	sand.u32 $0x300, s3;
	v7 =	vld [tilespmem:s29+$0xFFFFFFC0];
	[tilespmem:s30+$0xFFFFFC60] =	vst v9;
	s29 =	sadd.s32 $0x80, s29  }
0x56: {  	[tilespmem:s30+$0x0] =	vst v6  }
0x57: {  	[tilespmem:s30+$0x10] =	vst v5  }
0x58: {  	v49 =	vld [tilespmem:s29+$0x430];
	[tilespmem:s30+$0x20] =	vst v3  }
0x59: {  	v50 =	vld [tilespmem:s29+$0xFFFFFFD0];
	[tilespmem:s30+$0x30] =	vst v4  }
0x5a: {  	v51 =	vld [tilespmem:s29+$0xFFFFFFE0];
	[tilespmem:s30+$0x40] =	vst v1  }
0x5b: {  	v52 =	vld [tilespmem:s29+$0xFFFFFFF0];
	[tilespmem:s30+$0x50] =	vst v2  }
0x5c: {  	v53 =	vld [tilespmem:s29+$0x0];
	[tilespmem:s30+$0xFFFFFBF0] =	vst v7;
	s30 =	sadd.s32 $0x800, s30  }
0x5d: {  	v54 =	vld [tilespmem:s29+$0x10];
	[tilespmem:s30+$0x60] =	vst v49  }
0x5e: {  	v55 =	vld [tilespmem:s29+$0x20];
	[tilespmem:s30+$0xFFFFFC00] =	vst v50  }
0x5f: {  	v56 =	vld [tilespmem:s29+$0x30];
	[tilespmem:s30+$0xFFFFFC10] =	vst v51  }
0x60: {  	v57 =	vld [tilespmem:s29+$0x3D0];
	[tilespmem:s30+$0xFFFFFC20] =	vst v52  }
0x61: {  	v58 =	vld [tilespmem:s29+$0x3E0];
	[tilespmem:s30+$0xFFFFFC30] =	vst v53  }
0x62: {  	v59 =	vld [tilespmem:s29+$0x3F0];
	[tilespmem:s30+$0xFFFFFC40] =	vst v54  }
0x63: {  	v60 =	vld [tilespmem:s29+$0x400];
	[tilespmem:s30+$0xFFFFFC50] =	vst v55  }
0x64: {  	v61 =	vld [tilespmem:s29+$0xFFFFFFC0];
	[tilespmem:s30+$0xFFFFFC60] =	vst v56  }
0x65: {  	s3 =	sand.u32 $0x80, s3;
	s0 =	sadd.s32 s0, s23;
	v62 =	vld [tilespmem:s29+$0x410];
	[tilespmem:s30+$0x0] =	vst v57  }
0x66: {  	v63 =	vld [tilespmem:s29+$0x420];
	s27 =	sadd.s32 $0x1, s27;
	s0 =	sadd.s32 s3, s0;
	[tilespmem:s30+$0x10] =	vst v58  }
0x67: {  	p1 =	sne.s32 s27, $0x8;
	v0 =	vld.idx.msk [tilespmem:v0+s0+$0x400 ss:$0x1], $0xffff;
	[tilespmem:s30+$0x20] =	vst v59  }
.Ltmp4:
0x68: {  	[tilespmem:s30+$0x30] =	vst v60;
	(pc) =	sbr.rel @p1 .LBB1_3-.Ltmp4, $4  }
0x69: {  	[tilespmem:s30+$0xFFFFFBF0] =	vst v61  }
0x6a: {  	[tilespmem:s30+$0x40] =	vst v62  }
0x6b: {  	s31 =	sadd.s32 $0x800, s28;
	s21 =	sadd.s32 $0x800, s21;
	[tilespmem:s30+$0x50] =	vst v63  }
0x6c: {  	s26 =	sadd.s32 $0x80, s26;
	p0 =	por !p0, !p0;
	s22 =	sadd.s32 $0x80, s22;
	[tilespmem:s31+$0x0] =	vst v0  }
0x6d: {  	s0 =	sshrl.u32 s19, $0x3  }
0x6e: {  	s3 =	sshll.u32 s17, $0x3;
	s0 =	smul.u32 $0x138800, s0  }
0x6f: {  	s24 =	sshll.u32 s19, $0x7;
	s3 =	sand.u32 $0xFFFFFC00, s3  }
0x70: {  	s26 =	sand.u32 $0x380, s24;
	s0 =	sadd.s32 s0, s3  }
0x71: {  	s27 =	sand.u32 $0x7F, s17;
	s0 =	sor.u32 s26, s0  }
0x72: {  	s3 =	sor.u32 s27, s0;
	s0 =	smulhi.u32 $0xD1B71759, s0  }
0x73: {  	s17 =	smulhi.u32 $0xD1B71759, s3  }
0x74: {  	s18 =	smul.u32 $0x138800, s18  }
0x75: {  	s16 =	smul.u32 $0x27100, s16;
	s0 =	sshrl.u32 s0, $0x11;
	s17 =	sshrl.u32 s17, $0x11  }
0x76: {  	s0 =	sand.u32 $0x7, s0;
	s17 =	smul.u32 $0x27100, s17  }
0x77: {  	s0 =	smul.u32 $0x4E20, s0  }
.Ltmp5:
0x78: {  	s28 =	sadd.s32 s7, s18;
	s3 =	ssub.s32 s3, s17;
	(pc) =	sbr.rel .LBB1_7-.Ltmp5, $4  }
0x79: {  	s16 =	sadd.s32 s16, s28;
	s29 =	sand.u32 $0x7, s3  }
0x7a: {  	s0 =	sadd.s32 s0, s16;
	s3 =	sshrl.u32 s3, $0x3;
	s30 =	sshll.u32 s29, $0x12  }
0x7b: {  	s0 =	sadd.s32 s3, s0;
	s31 =	sor.u32 $0x800, s30  }
0x7c: {  	[hbm4b:s0+s31] =	stream.strided.scatter [tilespmem:s20], [sflag:$0x2], $0x4000, s9, s31, $0x38;
	[tilespmem:$0x10000] =	vst v63  }
.LBB1_8:
0x7d: {  	_ =	sfence.sel $0x180000  }
0x7e: {  	s0 =	simm.s32 $0x1;
	[bflag:$0x0] =	sbarrier.arrive $0xFFFF  }
0x7f: {  	s30 =	simm.s32 $0x2;
	[sflag:s0] =	ssyncpa.u1 $0x1  }
0x80: {  	[sflag:s30] =	ssyncpa.u1 $0x1  }
0x81: {  	_ =	strace $0x90000047  }
0x82: {  	s31 =	stileid.u32;
	[bflag:$0x2] =	sbarrier.arrive $0xFFFF  }
0x83: {  	p0 =	sne.s32 s31, $0x0;
	s0 =	rddreg [dreg:$0x1]  }
0x84: {  	s0 =	sadd.s32 @!p0 $0x100000, s0  }
0x85: {  	[sflag:s0] =	ssyncadd.tile.s32 @!p0 $0x1;
	_ =	shalt  }
.Lfunc_end1:
_tile_overlayer_lowered:
.L_overlay_start_2:
0x86: {  	(tag) =	ssettag $0x2  }
0x87: {  	s0 =	rddreg [dreg:$0x0];
	s2 =	stileid.u32  }
0x88: {  	s1 =	rddreg [dreg:$0x1];
	p0 =	sne.s32 s2, $0x0  }
0x89: {  	s3 =	rddreg [dreg:$0x2];
	[bflag:$0x3] =	sbarrier.arrive $0xFFFF;
	s2 =	simm.s32 @!p0 $0x1C01  }
0x8a: {  	[timem:s3], [sflag:s2] =	dma.local @!p0 [hbm:s0], s1  }
0x8b: {  	s0 =	simm.s32 @!p0 $0x1  }
0x8c: {  	_ =	swait.ge @!p0 [sflag:s0], s1  }
0x8d: {  	s1 =	ssub.s32 @!p0 $0x0, s1;
	[sflag:s0] =	ssyncset.done @!p0 $0x0  }
0x8e: {  	[sflag:s0] =	ssyncadd.s32 @!p0 s1  }
0x8f: {  	[bflag:$0x3] =	sbarrier.arrive $0xFFFF  }
0x90: {  	_ =	shalt  }

// kernel: sparse-core-data-format-call.cloned.1.call-start
scs
called_computation_lowered:
.L_overlay_start_0:
0x0: {  	s1 =	sld [smem:$0x3FD9]  }
0x1: {  	s2 =	sld [smem:$0x3FFE];
	_ =	sdelay $0x1  }
0x2: {  	s3 =	srdreg.scid  }
0x3: {  	s0 =	sand.u32 $0x1, s3  }
0x4: {  	s17 =	sshll.u32 s0, $0xA;
	s1 =	sadd.s32 s2, s1  }
0x5: {  	s1 =	sadd.s32 s1, s17  }
0x6: {  	[smem:$0x3FC2] =	sst s1  }
0x7: {  	_ = 	snop  }
0x8: {  	(tm) =	ssettm $0x1  }
0x9: {  	s18 =	sld [smem:$0x3FFB];
	_ =	sdelay $0x3  }
0xa: {  	_ =	strace s18  }
0xb: {  	s1 =	sld [smem:$0x3FFC];
	_ =	sdelay $0x3  }
0xc: {  	_ =	strace s1  }
0xd: {  	s1 =	sld [smem:$0x3FFD];
	_ =	sdelay $0x3  }
0xe: {  	_ =	strace s1  }
0xf: {  	_ =	strace $0x8FFFFFFF  }
0x10: {  	s19 =	sld [smem:$0x3FDB];
	_ =	sdelay $0x1  }
0x11: {  	s20 =	simm.s32 $_scs_section_size  }
0x12: {  	s4 =	simm.s32 $_size__tile_overlayer_lowered;
	s5 =	simm.s32 $_tile_overlayer_lowered  }
0x13: {  	s23 =	simm.s32 $0x1BFF;
	s22 =	sshll.u32 s5, $0x1;
	s1 =	sadd.s32 s20, s19  }
0x14: {  	s6 =	simm.s32 $0x0;
	s21 =	sshll.u32 s4, $0x1;
	s4 =	sadd.s32 s22, s1  }
0x15: {  	[timem:s6], [sflag:s23] =	dma.local [hbm:s4], s21  }
0x16: {  	_ =	swait.ge [sflag:s23], s21  }
0x17: {  	s2 =	ssub.s32 $0x0, s21;
	[sflag:s23] =	ssyncset.done $0x0  }
0x18: {  	[sflag:s23] =	ssyncadd.s32 s2;
	_ =	sdelay $0x1  }
0x19: {  	s24 =	simm.s32 $0x1B8B  }
0x1a: {  	_ =	swait.ge [sflag:s24], $0x1  }
0x1b: {  	[sflag:s24] =	ssyncset.done $0x0  }
0x1c: {  	s26 =	simm.s32 $0x1B8E;
	s25 =	sld [smem:$0x3FFE];
	[sflag:s24] =	ssyncadd.s32 $0xFFFFFFFF  }
0x1d: {  	s27 =	simm.s32 $execute0_lowered;
	[smem:$0x3FD2] =	sst s26  }
0x1e: {  	s4 =	sshll.u32 s27, $0x1;
	_ =	strace $0x80000049;
	[dreg:$0x1] =	wrdreg $0xFFFFFFFF  }
0x1f: {  	s28 =	simm.s32 $_size_execute0_lowered;
	s1 =	sadd.s32 s1, s4;
	[dreg:$0x0] =	wrdreg $0x0  }
0x20: {  	s4 =	sshll.u32 s28, $0x1;
	[dreg:$0x2] =	wrdreg s1  }
0x21: {  	[dreg:$0x3] =	wrdreg s4  }
0x22: {  	[dreg:$0x4] =	wrdreg $0xC0  }
0x23: {  	_ =	task [dreg:s6], $0x5FFFF  }
0x24: {  	[dreg:$0x1] =	wrdreg $0xFFFFFFFF  }
0x25: {  	[dreg:$0x0] =	wrdreg $0x60  }
0x26: {  	[dreg:$0x2] =	wrdreg s25  }
0x27: {  	[dreg:$0x3] =	wrdreg $0x9  }
0x28: {  	_ =	task.clear_ibuf [dreg:s6], $0x4FFFF;
	_ =	strace $0x90000049  }
0x29: {  	s29 =	simm.s32 $0x9;
	_ =	strace $0x8000004B  }
0x2a: {  	_ =	swait.ge [sflag:s29], $0x1  }
0x2b: {  	[sflag:s29] =	ssyncadd.s32 $0xFFFFFFFF  }
0x2c: {  	_ =	strace $0x9000004B  }
0x2d: {  	_ =	sfence  }
0x2e: {  	s30 =	sld [smem:$0x0];
	_ =	sdelay $0x2  }
0x2f: {  	s31 =	sshll.u32 s3, $0xD;
	s3 =	sshrl.u32 s3, $0x2  }
0x30: {  	s2 =	sand.u32 $0x4000, s31;
	s1 =	sadd.s32 s3, s30  }
0x31: {  	s0 =	sor.u32 s2, s0;
	s1 =	sshll.u32 s1, $0x11  }
0x32: {  	s0 =	sor.u32 s1, s0  }
0x33: {  	s0 =	sadd.s32 $0x8F2B, s0  }
0x34: {  	[sflag:s0] =	ssyncadd.remote.s32 $0x1  }
0x35: {  	_ =	sfence.sel $0xFFFF  }
0x36: {  	[dreg:$0x0] =	wrdreg $0xFFFFFFFF;
	(pc) =	sbr.abs _section_cstart, $3  }
0x37: {  	[dreg:$0x1] =	wrdreg $0xFFFFFFFF  }
0x38: {  	_ =	task.clear_ibuf [dreg:s6], $0x2FFFF;
	_ =	strace $0x9FFFFFFF  }
0x39: {  	(tm) =	ssettm $0x7FFFFFFF  }
tec
execute0_lowered:
.L_overlay_start_1:
0x0: {  	(tag) =	ssettag $0x1  }
0x1: {  	s0 =	srdreg.scid  }
0x2: {  	s2 =	stileid.u32;
	s0 =	sshll.u32 s0, $0x4  }
0x3: {  	s1 =	rddreg [dreg:$0x0];
	_ =	strace $0x8000004A;
	s0 =	sand.u32 $0x10, s0  }
0x4: {  	s31 =	simm.s32 $0x1;
	s5 =	simm.s32 $0x2;
	s0 =	sor.u32 s2, s0  }
0x5: {  	s13 =	simm.s32 $0x0;
	s10 =	simm.s32 $0x0;
	s6 =	sshll.u32 s0, $0xA  }
0x6: {  	s7 =	sadd.s32 $0x1000, s1;
	s1 =	sadd.s32 $0x272000, s1;
	s0 =	ssub.s32 $0x138800, s6  }
0x7: {  	s11 =	simm.s32 $0x0;
	[dreg:$0x4] =	wrdreg s1;
	s4 =	sand.u32 $0x7C00, s0  }
.Ltmp0:
0x8: {  	p0 =	sne.s32 s4, $0x0;
	s4 =	simm.s32 $0x1;
	(pc) =	sbr.rel .LBB1_1-.Ltmp0, $4  }
0x9: {  	[dreg:$0x3] =	wrdreg s7;
	s0 =	sshrl.u32 s0, $0xF;
	s4 =	simm.s32 @!p0 $0x0  }
0xa: {  	[sflag:s31] =	ssyncpa.u1 $0x0;
	[dreg:$0x2] =	wrdreg s6;
	s8 =	sadd.s32 s4, s0  }
0xb: {  	[sflag:s5] =	ssyncpa.u1 $0x0;
	s9 =	sadd.s32 $0x1, s8;
	[dreg:$0x5] =	wrdreg s8  }
0xc: {  	s2 =	simm.s32 $0x0;
	s12 =	smov.u32 s6;
	[dreg:$0x6] =	wrdreg s9  }
.LBB1_7:
0xd: {  	s0 =	sadd.s32 $0x8000, s12  }
0xe: {  	s2 =	sadd.s32 $0x10, s10;
	s3 =	smov.u32 s10;
	p1 =	sgt.s32 s0, $0x1387FF  }
0xf: {  	s3 =	smov.u32 @p1 s2  }
0x10: {  	s0 =	smov.u32 @p1 s6;
	p1 =	sgt.s32 s3, $0xF  }
0x11: {  	s3 =	simm.s32 @p1 $0x0;
	p1 =	sne.s32 s11, s9  }
.Ltmp1:
0x12: {  	p0 =	slt.u32 s11, $0x2;
	(pc) =	sbr.rel @!p1 .LBB1_8-.Ltmp1, $4  }
0x13: {  	s1 =	simm.s32 @!p0 $0x2  }
0x14: {  	s13 =	smov.u32 s12;
	_ =	swait.ge @!p0 [sflag:s1], $0x4000  }
0x15: {  	s2 =	smov.u32 s10;
	[sflag:s1] =	ssyncset.done @!p0 $0x0;
	s12 =	smov.u32 s0  }
0x16: {  	s11 =	sadd.s32 $0x1, s11;
	[sflag:s1] =	ssyncadd.s32 @!p0 $0xFFFFC000;
	s10 =	smov.u32 s3  }
.LBB1_1:
0x17: {  	p0 =	sge.u32 s11, s8  }
0x18: {  	s0 =	sshrl.u32 @!p0 s10, $0x3  }
0x19: {  	s1 =	sshll.u32 @!p0 s12, $0x3;
	s4 =	sshll.u32 @!p0 s10, $0x7;
	s0 =	smul.u32 @!p0 $0x9C4000, s0  }
0x1a: {  	s5 =	sand.u32 @!p0 $0x7F, s12;
	s1 =	sand.u32 @!p0 $0xFFFFFC00, s1;
	s4 =	sand.u32 @!p0 $0x380, s4  }
0x1b: {  	s0 =	sadd.s32 @!p0 s0, s1;
	s1 =	sor.u32 @!p0 s5, s4  }
0x1c: {  	s1 =	sor.u32 @!p0 s0, s1  }
0x1d: {  	s4 =	smulhi.u32 @!p0 $0xD1B71759, s1;
	_ =	sdelay $0x1  }
0x1e: {  	s0 =	smulhi.u32 @!p0 $0xD1B71759, s0;
	s4 =	sshrl.u32 @!p0 s4, $0x14  }
0x1f: {  	s4 =	smul.u32 @!p0 $0x138800, s4  }
0x20: {  	s31 =	sadd.s32 $0xFFFFFFFF, s11;
	s5 =	sxor.u32 @!p0 $0xFFFFFFFF, s11;
	s0 =	sshrl.u32 @!p0 s0, $0x14  }
0x21: {  	s5 =	sshll.u32 @!p0 s5, $0xE;
	s0 =	sand.u32 @!p0 $0xF, s0;
	s1 =	ssub.s32 @!p0 s1, s4  }
0x22: {  	s0 =	smul.u32 @!p0 $0x27100, s0;
	s4 =	sshrl.u32 @!p0 s1, $0x3;
	s1 =	sand.u32 @!p0 $0x7, s1  }
0x23: {  	s5 =	sand.u32 @!p0 $0x4000, s5;
	s4 =	sadd.s32 @!p0 s7, s4;
	s1 =	sshll.u32 @!p0 s1, $0x12  }
0x24: {  	s0 =	sadd.s32 @!p0 s0, s4;
	s1 =	sor.u32 @!p0 $0x2000, s1;
	s4 =	simm.s32 @!p0 $0x9C4000  }
0x25: {  	[tilespmem:s5], [sflag:$0x1] =	stream.strided.gather @!p0 [hbm4b:s0+s1], $0x4000, s4, s1, $0x38;
	[tilespmem:$0x10800] =	vst v63  }
0x26: {  	p0 =	sge.u32 s31, s8  }
.Ltmp2:
0x27: {  	_ = 	snop;
	(pc) =	sbr.rel @p0 .LBB1_7-.Ltmp2, $1  }
0x28: {  	_ =	sdelay $0x3  }
0x29: {  	[dreg:$0x9] =	wrdreg s13  }
0x2a: {  	[dreg:$0x8] =	wrdreg s2;
	s0 =	sand.u32 $0x1, s11  }
0x2b: {  	[dreg:$0x7] =	wrdreg s12;
	s31 =	simm.s32 $0x1;
	s1 =	smul.u32 $0x11000, s0  }
0x2c: {  	_ =	swait.ge [sflag:s31], $0x4000  }
0x2d: {  	s16 =	simm.s32 $0x0;
	[sflag:s31] =	ssyncset.done $0x0;
	s1 =	sshrl.u32 s1, $0x2  }
0x2e: {  	s15 =	sshll.u32 s0, $0xE;
	[sflag:s31] =	ssyncadd.s32 $0xFFFFC000;
	s14 =	sor.u32 $0x8000, s1  }
.LBB1_3:
0x2f: {  	s0 =	sshll.u32 s16, $0xA  }
0x30: {  	s1 =	sshll.u32 s16, $0x7;
	s0 =	sand.u32 $0x2000, s0  }
0x31: {  	s1 =	sand.u32 $0x380, s1;
	s0 =	sadd.s32 s0, s15  }
0x32: {  	s0 =	sadd.s32 s1, s0  }
0x33: {  	s17 =	sadd.s32 s16, s14;
	p0 =	por $0x1, $0x1;
	s18 =	simm.s32 $0x0;
	v0 =	vmov s0  }
.LBB1_4:
0x34: {  	s0 =	smul.u32 $0x44, s18;
	s1 =	sshll.u32 s18, $0x3;
	s4 =	sor.u32 $0x80, s18  }
0x35: {  	s9 =	sor.u32 $0x90, s18;
	s22 =	sor.u32 $0xA0, s18;
	s25 =	sor.u32 $0xB0, s18  }
0x36: {  	s2 =	sor.u32 $0xC0, s18;
	s3 =	sor.u32 $0xD0, s18;
	s7 =	smul.u32 $0x44, s4  }
0x37: {  	p1 =	por p0, p0;
	s29 =	sand.u32 $0x3FFFFFF8, s1;
	s13 =	smul.u32 $0x44, s9  }
0x38: {  	s8 =	sshll.u32 s4, $0x3;
	s21 =	sshll.u32 s9, $0x3;
	s5 =	smul.u32 $0x44, s22  }
0x39: {  	s24 =	sshll.u32 s22, $0x3;
	s27 =	smul.u32 $0x44, s25;
	s28 =	sshll.u32 s25, $0x3  }
0x3a: {  	s4 =	sshll.u32 s2, $0x3;
	s25 =	smul.u32 $0x44, s3;
	s0 =	sshra.s32 s0, $0x2  }
0x3b: {  	s30 =	sand.u32 $0x3FFFFFF8, s8;
	s31 =	sand.u32 $0x1400, s21;
	s1 =	sand.u32 $0x1400, s24  }
0x3c: {  	s24 =	smul.u32 $0x44, s2;
	s8 =	sand.u32 $0x1400, s4;
	s0 =	sadd.s32 s0, s14  }
0x3d: {  	s12 =	sshra.s32 s7, $0x2;
	s23 =	sshra.s32 s13, $0x2;
	s26 =	sshra.s32 s5, $0x2  }
0x3e: {  	s5 =	sshra.s32 s27, $0x2;
	s7 =	sshll.u32 s3, $0x3;
	s9 =	sshra.s32 s25, $0x2  }
0x3f: {  	s3 =	sor.u32 $0x100, s18;
	v55 =	vld.idx.msk [tilespmem:v0+s31+$0x10 ss:$0x1], $0xffff;
	s31 =	sor.u32 $0x140, s18;
	s19 =	sadd.s32 s16, s0  }
0x40: {  	s20 =	sadd.s32 s12, s17;
	s21 =	sadd.s32 s23, s17;
	s22 =	sadd.s32 s26, s17  }
0x41: {  	s0 =	sand.u32 $0x1400, s28;
	s23 =	sadd.s32 s5, s17;
	s6 =	sshra.s32 s24, $0x2  }
0x42: {  	v1 =	vld.idx.msk [tilespmem:v0+s29+$0x0 ss:$0x1], $0xffff;
	s26 =	sor.u32 $0xE0, s18;
	s5 =	sand.u32 $0x1400, s7;
	s25 =	sadd.s32 s9, s17  }
0x43: {  	v2 =	vld.idx.msk [tilespmem:v0+s29+$0x10 ss:$0x1], $0xffff;
	s28 =	sor.u32 $0xF0, s18;
	s24 =	sadd.s32 s6, s17;
	s27 =	smul.u32 $0x44, s26  }
0x44: {  	v3 =	vld.idx.msk [tilespmem:v0+s29+$0x20 ss:$0x1], $0xffff;
	s12 =	sshll.u32 s26, $0x3;
	s2 =	smul.u32 $0x44, s28;
	s28 =	sshll.u32 s28, $0x3  }
0x45: {  	s6 =	smul.u32 $0x44, s3;
	s3 =	sshll.u32 s3, $0x3;
	s4 =	sand.u32 $0x1400, s12  }
0x46: {  	v4 =	vld.idx.msk [tilespmem:v0+s29+$0x30 ss:$0x1], $0xffff;
	s7 =	sand.u32 $0x1400, s28;
	s3 =	sand.u32 $0x3FFFFFF8, s3;
	s13 =	sshra.s32 s27, $0x2  }
0x47: {  	v5 =	vld.idx.msk [tilespmem:v0+s29+$0x40 ss:$0x1], $0xffff;
	s27 =	sshra.s32 s2, $0x2;
	s2 =	sor.u32 $0x110, s18;
	s28 =	sshra.s32 s6, $0x2;
	[tilespmem:s19+$0x0 ss:$0x11] =	vst.msk $0xffff, v1  }
0x48: {  	v1 =	vld.idx.msk [tilespmem:v0+s29+$0x50 ss:$0x1], $0xffff;
	[tilespmem:s19+$0x110 ss:$0x11] =	vst.msk $0xffff, v2;
	s26 =	sadd.s32 s13, s17;
	s27 =	sadd.s32 s27, s17;
	s6 =	smul.u32 $0x44, s2  }
0x49: {  	v2 =	vld.idx.msk [tilespmem:v0+s29+$0x60 ss:$0x1], $0xffff;
	[tilespmem:s19+$0x220 ss:$0x11] =	vst.msk $0xffff, v3;
	s28 =	sadd.s32 s28, s17;
	s2 =	sshll.u32 s2, $0x3;
	s13 =	sor.u32 $0x120, s18  }
0x4a: {  	v3 =	vld.idx.msk [tilespmem:v0+s29+$0x70 ss:$0x1], $0xffff;
	[tilespmem:s21+$0x0 ss:$0x11] =	vst.msk $0xffff, v55;
	s21 =	sor.u32 $0x170, s18;
	s2 =	sand.u32 $0x1800, s2;
	s12 =	smul.u32 $0x44, s13  }
0x4b: {  	v54 =	vld.idx.msk [tilespmem:v0+s30+$0x0 ss:$0x1], $0xffff;
	[tilespmem:s19+$0x330 ss:$0x11] =	vst.msk $0xffff, v4;
	s9 =	sshll.u32 s13, $0x3;
	s13 =	sor.u32 $0x130, s18;
	s6 =	sshra.s32 s6, $0x2  }
0x4c: {  	[tilespmem:s19+$0x440 ss:$0x11] =	vst.msk $0xffff, v5;
	s29 =	sadd.s32 s6, s17;
	s6 =	sand.u32 $0x1800, s9;
	s12 =	sshra.s32 s12, $0x2  }
0x4d: {  	s9 =	smul.u32 $0x44, s13;
	s13 =	sshll.u32 s13, $0x3;
	s30 =	sadd.s32 s12, s17;
	[tilespmem:s19+$0x550 ss:$0x11] =	vst.msk $0xffff, v1;
	v1 =	vld.idx.msk [tilespmem:v0+s1+$0x20 ss:$0x1], $0xffff  }
0x4e: {  	s1 =	sand.u32 $0x1800, s13;
	s12 =	smul.u32 $0x44, s31;
	[tilespmem:s19+$0x660 ss:$0x11] =	vst.msk $0xffff, v2;
	v2 =	vld.idx.msk [tilespmem:v0+s0+$0x30 ss:$0x1], $0xffff;
	s13 =	sshll.u32 s31, $0x3  }
0x4f: {  	s31 =	sor.u32 $0x150, s18;
	[tilespmem:s19+$0x770 ss:$0x11] =	vst.msk $0xffff, v3;
	v3 =	vld.idx.msk [tilespmem:v0+s8+$0x40 ss:$0x1], $0xffff;
	s9 =	sshra.s32 s9, $0x2;
	s8 =	sand.u32 $0x1800, s13  }
0x50: {  	v56 =	vld.idx.msk [tilespmem:v0+s5+$0x50 ss:$0x1], $0xffff;
	[tilespmem:s20+$0x0 ss:$0x11] =	vst.msk $0xffff, v54;
	s19 =	smul.u32 $0x44, s31;
	s20 =	sshll.u32 s31, $0x3;
	s31 =	sor.u32 $0x160, s18  }
0x51: {  	v57 =	vld.idx.msk [tilespmem:v0+s4+$0x60 ss:$0x1], $0xffff;
	s0 =	sadd.s32 s9, s17;
	s12 =	sshra.s32 s12, $0x2;
	s4 =	sand.u32 $0x1800, s20  }
0x52: {  	s5 =	sadd.s32 s12, s17;
	s12 =	sshra.s32 s19, $0x2;
	s19 =	smul.u32 $0x44, s31  }
0x53: {  	s20 =	sshll.u32 s31, $0x3;
	s31 =	sor.u32 $0x180, s18;
	[tilespmem:s22+$0x0 ss:$0x11] =	vst.msk $0xffff, v1;
	v1 =	vld.idx.msk [tilespmem:v0+s7+$0x70 ss:$0x1], $0xffff;
	s7 =	sadd.s32 s12, s17  }
0x54: {  	[tilespmem:s23+$0x0 ss:$0x11] =	vst.msk $0xffff, v2;
	v2 =	vld.idx.msk [tilespmem:v0+s3+$0x0 ss:$0x1], $0xffff;
	s3 =	sand.u32 $0x1800, s20;
	s22 =	sshra.s32 s19, $0x2;
	s23 =	smul.u32 $0x44, s21  }
0x55: {  	[tilespmem:s24+$0x0 ss:$0x11] =	vst.msk $0xffff, v3;
	v3 =	vld.idx.msk [tilespmem:v0+s2+$0x10 ss:$0x1], $0xffff;
	s24 =	sshll.u32 s21, $0x3;
	s20 =	smul.u32 $0x44, s31;
	s21 =	sshll.u32 s31, $0x3  }
0x56: {  	[tilespmem:s25+$0x0 ss:$0x11] =	vst.msk $0xffff, v56;
	v58 =	vld.idx.msk [tilespmem:v0+s6+$0x20 ss:$0x1], $0xffff;
	s2 =	sadd.s32 s22, s17;
	s6 =	sand.u32 $0x1800, s24;
	s22 =	sor.u32 $0x190, s18  }
0x57: {  	[tilespmem:s26+$0x0 ss:$0x11] =	vst.msk $0xffff, v57;
	v59 =	vld.idx.msk [tilespmem:v0+s1+$0x30 ss:$0x1], $0xffff;
	s19 =	sshra.s32 s23, $0x2;
	s23 =	sand.u32 $0x3FFFFFF8, s21;
	s24 =	sshra.s32 s20, $0x2  }
0x58: {  	s25 =	smul.u32 $0x44, s22;
	s1 =	sadd.s32 s19, s17;
	s19 =	sor.u32 $0x1B0, s18;
	[tilespmem:s27+$0x0 ss:$0x11] =	vst.msk $0xffff, v1;
	v1 =	vld.idx.msk [tilespmem:v0+s8+$0x40 ss:$0x1], $0xffff  }
0x59: {  	s26 =	sshll.u32 s22, $0x3;
	s22 =	sshll.u32 s19, $0x3;
	[tilespmem:s28+$0x0 ss:$0x11] =	vst.msk $0xffff, v2;
	v2 =	vld.idx.msk [tilespmem:v0+s4+$0x50 ss:$0x1], $0xffff;
	s4 =	sadd.s32 s24, s17  }
0x5a: {  	s27 =	sor.u32 $0x1A0, s18;
	[tilespmem:s29+$0x0 ss:$0x11] =	vst.msk $0xffff, v3;
	v3 =	vld.idx.msk [tilespmem:v0+s3+$0x60 ss:$0x1], $0xffff;
	s28 =	sand.u32 $0x1C00, s26;
	s29 =	sshra.s32 s25, $0x2  }
0x5b: {  	[tilespmem:s30+$0x0 ss:$0x11] =	vst.msk $0xffff, v58;
	v60 =	vld.idx.msk [tilespmem:v0+s6+$0x70 ss:$0x1], $0xffff;
	s24 =	sand.u32 $0x1C00, s22;
	s25 =	sor.u32 $0x1C0, s18;
	s26 =	smul.u32 $0x44, s19  }
0x5c: {  	[tilespmem:s0+$0x0 ss:$0x11] =	vst.msk $0xffff, v59;
	v61 =	vld.idx.msk [tilespmem:v0+s23+$0x0 ss:$0x1], $0xffff;
	s31 =	smul.u32 $0x44, s27;
	s6 =	sadd.s32 s29, s17;
	s13 =	sshll.u32 s27, $0x3  }
0x5d: {  	s27 =	sshll.u32 s25, $0x3;
	s19 =	smul.u32 $0x44, s25;
	s20 =	sand.u32 $0x1C00, s13;
	[tilespmem:s5+$0x0 ss:$0x11] =	vst.msk $0xffff, v1;
	v1 =	vld.idx.msk [tilespmem:v0+s28+$0x10 ss:$0x1], $0xffff  }
0x5e: {  	s29 =	sand.u32 $0x1C00, s27;
	s21 =	sshra.s32 s31, $0x2;
	[tilespmem:s7+$0x0 ss:$0x11] =	vst.msk $0xffff, v2;
	v2 =	vld.idx.msk [tilespmem:v0+s20+$0x20 ss:$0x1], $0xffff;
	s28 =	sor.u32 $0x1D0, s18  }
0x5f: {  	s31 =	sor.u32 $0x1E0, s18;
	s23 =	sadd.s32 s21, s17;
	[tilespmem:s2+$0x0 ss:$0x11] =	vst.msk $0xffff, v3;
	v3 =	vld.idx.msk [tilespmem:v0+s24+$0x30 ss:$0x1], $0xffff;
	s30 =	sshll.u32 s28, $0x3  }
0x60: {  	[tilespmem:s1+$0x0 ss:$0x11] =	vst.msk $0xffff, v60;
	v62 =	vld.idx.msk [tilespmem:v0+s29+$0x40 ss:$0x1], $0xffff;
	s13 =	sshll.u32 s31, $0x3;
	s18 =	sor.u32 $0x1F0, s18;
	s12 =	sand.u32 $0x1C00, s30  }
0x61: {  	[tilespmem:s4+$0x0 ss:$0x11] =	vst.msk $0xffff, v61;
	s20 =	sand.u32 $0x1C00, s13;
	s24 =	smul.u32 $0x44, s31;
	s21 =	sshll.u32 s18, $0x3;
	v63 =	vld.idx.msk [tilespmem:v0+s12+$0x50 ss:$0x1], $0xffff  }
0x62: {  	s0 =	sshra.s32 s26, $0x2;
	s22 =	smul.u32 $0x44, s28;
	s2 =	sand.u32 $0x1C00, s21;
	[tilespmem:s6+$0x0 ss:$0x11] =	vst.msk $0xffff, v1;
	v1 =	vld.idx.msk [tilespmem:v0+s20+$0x60 ss:$0x1], $0xffff  }
0x63: {  	s0 =	sadd.s32 s0, s17;
	s26 =	smul.u32 $0x44, s18;
	[tilespmem:s23+$0x0 ss:$0x11] =	vst.msk $0xffff, v2;
	v2 =	vld.idx.msk [tilespmem:v0+s2+$0x70 ss:$0x1], $0xffff;
	s23 =	sshra.s32 s19, $0x2  }
.Ltmp3:
0x64: {  	s1 =	sshra.s32 s22, $0x2;
	[tilespmem:s0+$0x0 ss:$0x11] =	vst.msk $0xffff, v3;
	s25 =	sadd.s32 s23, s17;
	(pc) =	sbr.rel @p1 .LBB1_4-.Ltmp3, $4  }
0x65: {  	s28 =	sshra.s32 s24, $0x2;
	s27 =	sadd.s32 s1, s17;
	[tilespmem:s25+$0x0 ss:$0x11] =	vst.msk $0xffff, v62  }
0x66: {  	s29 =	sadd.s32 s28, s17;
	s30 =	sshra.s32 s26, $0x2;
	[tilespmem:s27+$0x0 ss:$0x11] =	vst.msk $0xffff, v63  }
0x67: {  	s31 =	sadd.s32 s30, s17;
	[tilespmem:s29+$0x0 ss:$0x11] =	vst.msk $0xffff, v1  }
0x68: {  	p0 =	por $0x0, $0x0;
	s18 =	simm.s32 $0x200;
	[tilespmem:s31+$0x0 ss:$0x11] =	vst.msk $0xffff, v2  }
0x69: {  	s16 =	sadd.s32 $0x1, s16  }
0x6a: {  	p0 =	sne.s32 s16, $0x10  }
.Ltmp4:
0x6b: {  	_ = 	snop;
	(pc) =	sbr.rel @p0 .LBB1_3-.Ltmp4, $1  }
0x6c: {  	_ =	sdelay $0x3  }
0x6d: {  	s0 =	rddreg [dreg:$0x9]  }
0x6e: {  	s3 =	rddreg [dreg:$0x8]  }
0x6f: {  	s0 =	sshll.u32 s0, $0x7;
	s1 =	sshll.u32 s3, $0x3  }
0x70: {  	s2 =	sand.u32 $0xFFFFFC00, s0;
	s1 =	sand.u32 $0xFFFFFC00, s1  }
0x71: {  	s0 =	sand.u32 $0x380, s0;
	s1 =	sadd.s32 s1, s2  }
0x72: {  	s0 =	sor.u32 s0, s1  }
0x73: {  	s0 =	sshrl.u32 s0, $0x7  }
0x74: {  	s29 =	rddreg [dreg:$0x4];
	s25 =	smulhi.u32 $0x1A36E2F, s0  }
0x75: {  	s6 =	rddreg [dreg:$0x2]  }
0x76: {  	s7 =	rddreg [dreg:$0x3];
	s1 =	sshrl.u32 s25, $0xD  }
0x77: {  	s31 =	simm.s32 $0x80;
	s8 =	rddreg [dreg:$0x5];
	s1 =	smul.u32 $0x138800, s1  }
.Ltmp5:
0x78: {  	s9 =	rddreg [dreg:$0x6];
	s26 =	sshrl.u32 s3, $0x3;
	(pc) =	sbr.rel .LBB1_7-.Ltmp5, $4  }
0x79: {  	s28 =	sand.u32 $0x7, s3;
	s27 =	sand.u32 $0xF, s26;
	s0 =	ssub.s32 s0, s1  }
0x7a: {  	s2 =	sshll.u32 s28, $0x12;
	s1 =	sadd.s32 s29, s27;
	s0 =	sshll.u32 s0, $0x4  }
0x7b: {  	s12 =	rddreg [dreg:$0x7];
	s30 =	sor.u32 $0x10, s2;
	s0 =	sadd.s32 s0, s1  }
0x7c: {  	[hbm4b:s0+s30] =	stream.strided.scatter [tilespmem:s14], [sflag:$0x2], $0x4000, s31, s30, $0x8;
	[tilespmem:$0x10800] =	vst v63  }
.LBB1_8:
0x7d: {  	_ =	sfence.sel $0x180000  }
0x7e: {  	s0 =	simm.s32 $0x1;
	[bflag:$0x0] =	sbarrier.arrive $0xFFFF  }
0x7f: {  	s30 =	simm.s32 $0x2;
	[sflag:s0] =	ssyncpa.u1 $0x1  }
0x80: {  	[sflag:s30] =	ssyncpa.u1 $0x1  }
0x81: {  	_ =	strace $0x9000004A  }
0x82: {  	s31 =	stileid.u32;
	[bflag:$0x2] =	sbarrier.arrive $0xFFFF  }
0x83: {  	p0 =	sne.s32 s31, $0x0;
	s0 =	rddreg [dreg:$0x1]  }
0x84: {  	s0 =	sadd.s32 @!p0 $0x100000, s0  }
0x85: {  	[sflag:s0] =	ssyncadd.tile.s32 @!p0 $0x1;
	_ =	shalt  }
.Lfunc_end1:
_tile_overlayer_lowered:
.L_overlay_start_2:
0x86: {  	(tag) =	ssettag $0x2  }
0x87: {  	s0 =	rddreg [dreg:$0x0];
	s2 =	stileid.u32  }
0x88: {  	s1 =	rddreg [dreg:$0x1];
	p0 =	sne.s32 s2, $0x0  }
0x89: {  	s3 =	rddreg [dreg:$0x2];
	[bflag:$0x3] =	sbarrier.arrive $0xFFFF;
	s2 =	simm.s32 @!p0 $0x1C01  }
0x8a: {  	[timem:s3], [sflag:s2] =	dma.local @!p0 [hbm:s0], s1  }
0x8b: {  	s0 =	simm.s32 @!p0 $0x1  }
0x8c: {  	_ =	swait.ge @!p0 [sflag:s0], s1  }
0x8d: {  	s1 =	ssub.s32 @!p0 $0x0, s1;
	[sflag:s0] =	ssyncset.done @!p0 $0x0  }
0x8e: {  	[sflag:s0] =	ssyncadd.s32 @!p0 s1  }
0x8f: {  	[bflag:$0x3] =	sbarrier.arrive $0xFFFF  }
0x90: {  	_ =	shalt  }

</sc_bundles>
